<compile_context>
chip_gen: v7x
topology: tpu7x:2x2x1
jax: 0.10.2.dev20260603
libtpu: 0.0.44.dev20260713+nightly
codegen_flags: <defaults>
</compile_context>

<pallas_src>
import functools

import jax
import jax.numpy as jnp
from jax import lax
from jax.experimental import pallas as pl
from jax.experimental.pallas import tpu as pltpu
from jax.experimental.pallas import tpu_sc as plsc

N_NODES = 100000
N_EDGES = 6400000
D_MAX_SQ = 16.0
EPS = 1e-8

_info = plsc.get_sparse_core_info()
_NC = _info.num_cores
_NS = _info.num_subcores
_L = _info.num_lanes
_NW = _NC * _NS
_EPW = N_EDGES // _NW
_CHUNK = 2000
_NCHUNKS = _EPW // _CHUNK
_NPAIRS = _NCHUNKS // 2
_CV = _CHUNK // _L


def _rsqrt(x):
    k = plsc.bitcast(x, jnp.int32)
    r = plsc.bitcast(jnp.int32(0x5F3759DF) - (k >> 1), jnp.float32)
    for _ in range(2):
        r = r * (1.5 - 0.5 * x * r * r)
    return r


_mesh = plsc.VectorSubcoreMesh(core_axis_name="c", subcore_axis_name="s")


@functools.partial(
    pl.kernel,
    mesh=_mesh,
    compiler_params=pltpu.CompilerParams(
        needs_layout_passes=False, use_tc_tiling_on_sc=False),
    out_type=jax.ShapeDtypeStruct((_NW, 2, _L), jnp.float32),
    scratch_types=[
        [pltpu.VMEM((_CHUNK,), jnp.int32)] * 2,
        [pltpu.VMEM((_CHUNK,), jnp.int32)] * 2,
        [pltpu.VMEM((_CHUNK,), jnp.float32)] * 2,
        [pltpu.VMEM((_CHUNK, 8), jnp.float32)] * 2,
        [pltpu.VMEM((_CHUNK, 8), jnp.float32)] * 2,
        pltpu.VMEM((2, _L), jnp.float32),
        pltpu.VMEM_SHARED((N_NODES, 8), jnp.float32),
        [pltpu.SemaphoreType.DMA] * 2,
        [pltpu.SemaphoreType.DMA] * 2,
        [pltpu.SemaphoreType.DMA] * 2,
        [pltpu.SemaphoreType.DMA] * 2,
    ],
)
def _edge_loss_sc(table, srci, dsti, maskf, out,
                  sidx, didx, m, srows, drows, acc_v, spt,
                  sem_li, sem_lm, sem_gs, sem_gd):
    sid = lax.axis_index("s")
    wid = sid * _NC + lax.axis_index("c")
    base0 = wid * _EPW
    iota = lax.iota(jnp.int32, _L)
    cols = [jnp.full((_L,), j, jnp.int32) for j in range(7)]

    rpt = N_NODES // _NS
    pltpu.sync_copy(table.at[pl.ds(sid * rpt, rpt)],
                    spt.at[pl.ds(sid * rpt, rpt)])
    plsc.subcore_barrier()

    def lin_idx(g, p):
        base = base0 + g * _CHUNK
        return (pltpu.make_async_copy(srci.at[pl.ds(base, _CHUNK)],
                                      sidx[p], sem_li[p]),
                pltpu.make_async_copy(dsti.at[pl.ds(base, _CHUNK)],
                                      didx[p], sem_li[p]))

    def lin_mask(g, p):
        base = base0 + g * _CHUNK
        return pltpu.make_async_copy(maskf.at[pl.ds(base, _CHUNK)],
                                     m[p], sem_lm[p])

    def gathers(p):
        return (pltpu.make_async_copy(spt.at[sidx[p]], srows[p], sem_gs[p]),
                pltpu.make_async_copy(spt.at[didx[p]], drows[p], sem_gd[p]))

    def compute(p, num, cnt):
        sr, dr, mm = srows[p], drows[p], m[p]

        def body(i, carry):
            num2, cnt2 = carry
            row = i * _L + iota
            s = [plsc.load_gather(sr, [row, cols[j]]) for j in range(7)]
            d = [plsc.load_gather(dr, [row, cols[j]]) for j in range(6)]
            mv = mm[pl.ds(i * _L, _L)]
            t0 = s[0] - d[0]
            t1 = s[1] - d[1]
            t2 = s[2] - d[2]
            a = jnp.maximum(t0 * t0 + t1 * t1 + t2 * t2, EPS)
            g0 = s[3] - d[3]
            g1 = s[4] - d[4]
            g2 = s[5] - d[5]
            b = jnp.maximum(g0 * g0 + g1 * g1 + g2 * g2, EPS)
            ab = a * b
            sq = ab * _rsqrt(ab)
            sqerr = (a + b) - 2.0 * sq
            keep = jnp.where(a < D_MAX_SQ, mv, 0.0)
            return (num2 + keep * s[6] * sqerr, cnt2 + keep)

        return plsc.parallel_loop(0, _CV, 1, unroll=5,
                                  carry=(num, cnt))(body)

    for cp in lin_idx(0, 0) + lin_idx(1, 1):
        cp.start()
    lin_mask(0, 0).start()
    lin_mask(1, 1).start()
    for cp in lin_idx(0, 0):
        cp.wait()
    for cp in gathers(0):
        cp.start()

    def pair_body(g2, carry):
        num, cnt = carry
        for b in (0, 1):
            g = g2 * 2 + b
            p, q = b, 1 - b
            more = g2 < _NPAIRS - 1

            def stage_next():
                for cp in lin_idx(g + 1, q):
                    cp.wait()
                for cp in gathers(q):
                    cp.start()

            if b == 0:
                stage_next()
            else:
                pl.when(more)(stage_next)

            for cp in gathers(p):
                cp.wait()

            def prefetch_idx():
                for cp in lin_idx(g + 2, p):
                    cp.start()

            pl.when(more)(prefetch_idx)
            lin_mask(g, p).wait()
            num, cnt = compute(p, num, cnt)
            pl.when(more)(lambda: lin_mask(g + 2, p).start())
        return (num, cnt)

    zero = jnp.zeros((_L,), jnp.float32)
    num, cnt = lax.fori_loop(0, _NPAIRS, pair_body, (zero, zero))
    acc_v[0, :] = num
    acc_v[1, :] = cnt
    pltpu.sync_copy(acc_v, out.at[wid])


def kernel(x_1_true, lig_x, src_idxs, dst_idxs, lig_ue_mask,
           node_batch_idxs_lig, time_weights):
    tw_node = time_weights[node_batch_idxs_lig]
    table = jnp.concatenate(
        [x_1_true, lig_x, tw_node[:, None],
         jnp.zeros((N_NODES, 1), jnp.float32)], axis=1)
    parts = _edge_loss_sc(table,
                          src_idxs.astype(jnp.int32),
                          dst_idxs.astype(jnp.int32),
                          lig_ue_mask.astype(jnp.float32))
    num = jnp.sum(parts[:, 0, :])
    cnt = jnp.sum(parts[:, 1, :])
    return num / jnp.maximum(cnt, 1.0)

# --- scband reference (transcript-rebuilt; emitter-appended) ---
"""Pipeline reference for scband-lig-pair-loss-44324062494964 (READ-ONLY COPY).

The authoritative reference and input builder live on the scoring server;
editing this copy changes nothing except your own understanding.
"""

import jax, jax.numpy as jnp
import numpy as np

D_MAX = 4.0
WEIGHT = 1.0
N_NODES = 100000
N_EDGES = 6400000
N_GRAPHS = 64


def _norm_no_nan(x, eps=1e-8):
    # sqrt of clamped sum of squares, matching the usual _norm_no_nan helper
    return jnp.sqrt(jnp.clip(jnp.sum(x * x, axis=-1), eps, None))


def setup_inputs(seed: int = 0) -> dict:
    key = jax.random.key(seed)
    k1, k2, k3, k4, k5, k6, k7 = jax.random.split(key, 7)
    x_1_true = jax.random.normal(k1, (N_NODES, 3), dtype=jnp.float32)
    lig_x = jax.random.normal(k2, (N_NODES, 3), dtype=jnp.float32)
    src_idxs = jax.random.randint(k3, (N_EDGES,), 0, N_NODES, dtype=jnp.int64 if jax.config.read('jax_enable_x64') else jnp.int32)
    dst_idxs = jax.random.randint(k4, (N_EDGES,), 0, N_NODES, dtype=jnp.int64 if jax.config.read('jax_enable_x64') else jnp.int32)
    lig_ue_mask = jax.random.randint(k5, (N_EDGES,), 0, 2).astype(bool)
    node_batch_idxs_lig = jnp.sort(jax.random.randint(k6, (N_NODES,), 0, N_GRAPHS))
    time_weights = jax.random.uniform(k7, (N_GRAPHS,), dtype=jnp.float32)
    return {
        'x_1_true': x_1_true,
        'lig_x': lig_x,
        'src_idxs': src_idxs,
        'dst_idxs': dst_idxs,
        'lig_ue_mask': lig_ue_mask,
        'node_batch_idxs_lig': node_batch_idxs_lig,
        'time_weights': time_weights,
    }


def reference(x_1_true, lig_x, src_idxs, dst_idxs, lig_ue_mask, node_batch_idxs_lig, time_weights):
    # Faithful translation. Instead of boolean gathers (dynamic shape), we use the
    # mathematically identical formulation: masked weighted sum / masked count.
    # Original: edges kept by lig_ue_mask, then by d_mask = dij_true < d_max;
    #           loss = mean over kept edges of (dij_pred - dij_true)^2 * time_weight
    x_diff_true = x_1_true[src_idxs] - x_1_true[dst_idxs]  # gather [E, 3]
    dij_true = _norm_no_nan(x_diff_true)                   # [E]
    d_mask = dij_true < D_MAX
    keep = jnp.logical_and(lig_ue_mask, d_mask)            # [E] bool

    x_diff_gen = lig_x[src_idxs] - lig_x[dst_idxs]         # gather [E, 3]
    dij_pred = _norm_no_nan(x_diff_gen)                    # [E]

    sq_err = (dij_pred - dij_true) ** 2                    # 'none' reduction MSE

    # time_weights expanded via batch idx of the src node of each kept edge
    tw = time_weights[node_batch_idxs_lig[src_idxs]]       # double gather [E]

    m = keep.astype(jnp.float32)
    num = jnp.sum(sq_err * tw * m)
    den = jnp.maximum(jnp.sum(m), 1.0)
    loss = num / den
    return loss * WEIGHT

if __name__ == "__main__":
    import jax
    _d = setup_inputs()
    print(jax.jit(kernel)(*tuple(_d.values())))

</pallas_src>

<mosaic_0001>
#map = affine_map<(d0, d1) -> (0, 0)>
#map1 = affine_map<(d0, d1) -> (0)>
#map2 = affine_map<(d0, d1) -> (0, 0, 0)>
module attributes {stable_mosaic.version = 14 : i64} {
  func.func @_edge_loss_sc(%arg0: i32, %arg1: i32, %arg2: memref<100000x8xf32, #tpu.memory_space<hbm>>, %arg3: memref<6400000xi32, #tpu.memory_space<hbm>>, %arg4: memref<6400000xi32, #tpu.memory_space<hbm>>, %arg5: memref<6400000xf32, #tpu.memory_space<hbm>>, %arg6: memref<32x2x16xf32, #tpu.memory_space<hbm>>, %arg7: memref<2000xi32, #tpu.memory_space<vmem>>, %arg8: memref<2000xi32, #tpu.memory_space<vmem>>, %arg9: memref<2000xi32, #tpu.memory_space<vmem>>, %arg10: memref<2000xi32, #tpu.memory_space<vmem>>, %arg11: memref<2000xf32, #tpu.memory_space<vmem>>, %arg12: memref<2000xf32, #tpu.memory_space<vmem>>, %arg13: memref<2000x8xf32, #tpu.memory_space<vmem>>, %arg14: memref<2000x8xf32, #tpu.memory_space<vmem>>, %arg15: memref<2000x8xf32, #tpu.memory_space<vmem>>, %arg16: memref<2000x8xf32, #tpu.memory_space<vmem>>, %arg17: memref<2x16xf32, #tpu.memory_space<vmem>>, %arg18: memref<100000x8xf32, #tpu.memory_space<vmem_shared>>, %arg19: memref<!tpu.dma_semaphore, #tpu.memory_space<semaphore_mem>>, %arg20: memref<!tpu.dma_semaphore, #tpu.memory_space<semaphore_mem>>, %arg21: memref<!tpu.dma_semaphore, #tpu.memory_space<semaphore_mem>>, %arg22: memref<!tpu.dma_semaphore, #tpu.memory_space<semaphore_mem>>, %arg23: memref<!tpu.dma_semaphore, #tpu.memory_space<semaphore_mem>>, %arg24: memref<!tpu.dma_semaphore, #tpu.memory_space<semaphore_mem>>, %arg25: memref<!tpu.dma_semaphore, #tpu.memory_space<semaphore_mem>>, %arg26: memref<!tpu.dma_semaphore, #tpu.memory_space<semaphore_mem>>) attributes {dimension_semantics = [#tpu.dimension_semantics<core_parallel>, #tpu.dimension_semantics<subcore_parallel>], iteration_bounds = array<i64: 2, 16>, scalar_prefetch = 0 : i64, scratch_operands = 20 : i64, tpu.core_type = #tpu.core_type<sc_vector_subcore>, window_params = [{transform_indices = #map}, {transform_indices = #map1}, {transform_indices = #map1}, {transform_indices = #map1}, {transform_indices = #map2}]} {
    %mul3A = arith.constant 2 : i32
    %mul3A_0 = arith.muli %arg1, %mul3A : i32
    %add3A = arith.addi %mul3A_0, %arg0 : i32
    %mul3A_1 = arith.constant 200000 : i32
    %mul3A_2 = arith.muli %add3A, %mul3A_1 : i32
    %iota3A = tpu.iota {dimensions = array<i32: 0>} : vector<16xi32>
    %broadcast_in_dim3A = arith.constant 0 : i32
    %broadcast_in_dim3A_3 = vector.broadcast %broadcast_in_dim3A : i32 to vector<16xi32>
    %broadcast_in_dim3A_4 = arith.constant 1 : i32
    %broadcast_in_dim3A_5 = vector.broadcast %broadcast_in_dim3A_4 : i32 to vector<16xi32>
    %broadcast_in_dim3A_6 = arith.constant 2 : i32
    %broadcast_in_dim3A_7 = vector.broadcast %broadcast_in_dim3A_6 : i32 to vector<16xi32>
    %broadcast_in_dim3A_8 = arith.constant 3 : i32
    %broadcast_in_dim3A_9 = vector.broadcast %broadcast_in_dim3A_8 : i32 to vector<16xi32>
    %broadcast_in_dim3A_10 = arith.constant 4 : i32
    %broadcast_in_dim3A_11 = vector.broadcast %broadcast_in_dim3A_10 : i32 to vector<16xi32>
    %broadcast_in_dim3A_12 = arith.constant 5 : i32
    %broadcast_in_dim3A_13 = vector.broadcast %broadcast_in_dim3A_12 : i32 to vector<16xi32>
    %broadcast_in_dim3A_14 = arith.constant 6 : i32
    %broadcast_in_dim3A_15 = vector.broadcast %broadcast_in_dim3A_14 : i32 to vector<16xi32>
    %mul3A_16 = arith.constant 6250 : i32
    %mul3A_17 = arith.muli %arg1, %mul3A_16 : i32
    %mul3A_18 = arith.constant 6250 : i32
    %mul3A_19 = arith.muli %arg1, %mul3A_18 : i32
    "tpu.region"() ({
      %run_scoped3A = tpu.sem_alloc : memref<!tpu.dma_semaphore, #tpu.memory_space<semaphore_mem>>
      %dma_start3A_64 = arith.constant 0 : i32
      %dma_start3A_65 = tpu.memref_slice %arg18[%mul3A_19, %dma_start3A_64] : memref<100000x8xf32, #tpu.memory_space<vmem_shared>> -> memref<6250x8xf32, #tpu.memory_space<vmem_shared>>
      %dma_start3A_66 = arith.constant 0 : i32
      %dma_start3A_67 = tpu.memref_slice %arg2[%mul3A_17, %dma_start3A_66] : memref<100000x8xf32, #tpu.memory_space<hbm>> -> memref<6250x8xf32, #tpu.memory_space<hbm>>
      tpu.enqueue_dma source(%dma_start3A_67 : memref<6250x8xf32, #tpu.memory_space<hbm>>) target(%dma_start3A_65 : memref<6250x8xf32, #tpu.memory_space<vmem_shared>>) target_semaphore(%run_scoped3A : memref<!tpu.dma_semaphore, #tpu.memory_space<semaphore_mem>>)
      %dma_wait3A_68 = arith.constant 0 : i32
      %dma_wait3A_69 = tpu.memref_slice %arg18[%mul3A_19, %dma_wait3A_68] : memref<100000x8xf32, #tpu.memory_space<vmem_shared>> -> memref<6250x8xf32, #tpu.memory_space<vmem_shared>>
      %dma_wait3A_70 = arith.constant 0 : i32
      %dma_wait3A_71 = tpu.memref_slice %arg2[%mul3A_17, %dma_wait3A_70] : memref<100000x8xf32, #tpu.memory_space<hbm>> -> memref<6250x8xf32, #tpu.memory_space<hbm>>
      tpu.wait_dma2 semaphore(%run_scoped3A : memref<!tpu.dma_semaphore, #tpu.memory_space<semaphore_mem>>) src(%dma_wait3A_71 : memref<6250x8xf32, #tpu.memory_space<hbm>>) dst(%dma_wait3A_69 : memref<6250x8xf32, #tpu.memory_space<vmem_shared>>)
      tpu.yield
    }) : () -> ()
    %barrier3A = arith.constant 0 : index
    tpu.barrier barrier_id(%barrier3A)
    %add3A_20 = arith.constant 0 : i32
    %add3A_21 = arith.addi %mul3A_2, %add3A_20 : i32
    %add3A_22 = arith.constant 2000 : i32
    %add3A_23 = arith.addi %mul3A_2, %add3A_22 : i32
    %dma_start3A = tpu.memref_slice %arg3[%add3A_21] : memref<6400000xi32, #tpu.memory_space<hbm>> -> memref<2000xi32, #tpu.memory_space<hbm>>
    %dma_start3A_24 = tpu.memref_slice %arg3[%add3A_21] : memref<6400000xi32, #tpu.memory_space<hbm>> -> memref<2000xi32, #tpu.memory_space<hbm>>
    tpu.enqueue_dma source(%dma_start3A_24 : memref<2000xi32, #tpu.memory_space<hbm>>) target(%arg7 : memref<2000xi32, #tpu.memory_space<vmem>>) target_semaphore(%arg19 : memref<!tpu.dma_semaphore, #tpu.memory_space<semaphore_mem>>)
    %dma_start3A_25 = tpu.memref_slice %arg4[%add3A_21] : memref<6400000xi32, #tpu.memory_space<hbm>> -> memref<2000xi32, #tpu.memory_space<hbm>>
    %dma_start3A_26 = tpu.memref_slice %arg4[%add3A_21] : memref<6400000xi32, #tpu.memory_space<hbm>> -> memref<2000xi32, #tpu.memory_space<hbm>>
    tpu.enqueue_dma source(%dma_start3A_26 : memref<2000xi32, #tpu.memory_space<hbm>>) target(%arg9 : memref<2000xi32, #tpu.memory_space<vmem>>) target_semaphore(%arg19 : memref<!tpu.dma_semaphore, #tpu.memory_space<semaphore_mem>>)
    %dma_start3A_27 = tpu.memref_slice %arg3[%add3A_23] : memref<6400000xi32, #tpu.memory_space<hbm>> -> memref<2000xi32, #tpu.memory_space<hbm>>
    %dma_start3A_28 = tpu.memref_slice %arg3[%add3A_23] : memref<6400000xi32, #tpu.memory_space<hbm>> -> memref<2000xi32, #tpu.memory_space<hbm>>
    tpu.enqueue_dma source(%dma_start3A_28 : memref<2000xi32, #tpu.memory_space<hbm>>) target(%arg8 : memref<2000xi32, #tpu.memory_space<vmem>>) target_semaphore(%arg20 : memref<!tpu.dma_semaphore, #tpu.memory_space<semaphore_mem>>)
    %dma_start3A_29 = tpu.memref_slice %arg4[%add3A_23] : memref<6400000xi32, #tpu.memory_space<hbm>> -> memref<2000xi32, #tpu.memory_space<hbm>>
    %dma_start3A_30 = tpu.memref_slice %arg4[%add3A_23] : memref<6400000xi32, #tpu.memory_space<hbm>> -> memref<2000xi32, #tpu.memory_space<hbm>>
    tpu.enqueue_dma source(%dma_start3A_30 : memref<2000xi32, #tpu.memory_space<hbm>>) target(%arg10 : memref<2000xi32, #tpu.memory_space<vmem>>) target_semaphore(%arg20 : memref<!tpu.dma_semaphore, #tpu.memory_space<semaphore_mem>>)
    %add3A_31 = arith.constant 0 : i32
    %add3A_32 = arith.addi %mul3A_2, %add3A_31 : i32
    %dma_start3A_33 = tpu.memref_slice %arg5[%add3A_32] : memref<6400000xf32, #tpu.memory_space<hbm>> -> memref<2000xf32, #tpu.memory_space<hbm>>
    %dma_start3A_34 = tpu.memref_slice %arg5[%add3A_32] : memref<6400000xf32, #tpu.memory_space<hbm>> -> memref<2000xf32, #tpu.memory_space<hbm>>
    tpu.enqueue_dma source(%dma_start3A_34 : memref<2000xf32, #tpu.memory_space<hbm>>) target(%arg11 : memref<2000xf32, #tpu.memory_space<vmem>>) target_semaphore(%arg21 : memref<!tpu.dma_semaphore, #tpu.memory_space<semaphore_mem>>)
    %add3A_35 = arith.constant 2000 : i32
    %add3A_36 = arith.addi %mul3A_2, %add3A_35 : i32
    %dma_start3A_37 = tpu.memref_slice %arg5[%add3A_36] : memref<6400000xf32, #tpu.memory_space<hbm>> -> memref<2000xf32, #tpu.memory_space<hbm>>
    %dma_start3A_38 = tpu.memref_slice %arg5[%add3A_36] : memref<6400000xf32, #tpu.memory_space<hbm>> -> memref<2000xf32, #tpu.memory_space<hbm>>
    tpu.enqueue_dma source(%dma_start3A_38 : memref<2000xf32, #tpu.memory_space<hbm>>) target(%arg12 : memref<2000xf32, #tpu.memory_space<vmem>>) target_semaphore(%arg22 : memref<!tpu.dma_semaphore, #tpu.memory_space<semaphore_mem>>)
    %add3A_39 = arith.constant 0 : i32
    %add3A_40 = arith.addi %mul3A_2, %add3A_39 : i32
    %dma_wait3A = tpu.memref_slice %arg3[%add3A_40] : memref<6400000xi32, #tpu.memory_space<hbm>> -> memref<2000xi32, #tpu.memory_space<hbm>>
    %dma_wait3A_41 = tpu.memref_slice %arg3[%add3A_40] : memref<6400000xi32, #tpu.memory_space<hbm>> -> memref<2000xi32, #tpu.memory_space<hbm>>
    tpu.wait_dma2 semaphore(%arg19 : memref<!tpu.dma_semaphore, #tpu.memory_space<semaphore_mem>>) src(%dma_wait3A_41 : memref<2000xi32, #tpu.memory_space<hbm>>) dst(%arg7 : memref<2000xi32, #tpu.memory_space<vmem>>)
    %dma_wait3A_42 = tpu.memref_slice %arg4[%add3A_40] : memref<6400000xi32, #tpu.memory_space<hbm>> -> memref<2000xi32, #tpu.memory_space<hbm>>
    %dma_wait3A_43 = tpu.memref_slice %arg4[%add3A_40] : memref<6400000xi32, #tpu.memory_space<hbm>> -> memref<2000xi32, #tpu.memory_space<hbm>>
    tpu.wait_dma2 semaphore(%arg19 : memref<!tpu.dma_semaphore, #tpu.memory_space<semaphore_mem>>) src(%dma_wait3A_43 : memref<2000xi32, #tpu.memory_space<hbm>>) dst(%arg9 : memref<2000xi32, #tpu.memory_space<vmem>>)
    %dma_start3A_44 = arith.constant 0 : i32
    %dma_start3A_45 = arith.constant 0 : i32
    %dma_start3A_46 = tpu.memref_slice %arg18[%dma_start3A_44, %dma_start3A_45] : memref<100000x8xf32, #tpu.memory_space<vmem_shared>> -> memref<100000x8xf32, #tpu.memory_space<vmem_shared>>
    tpu.enqueue_indirect_dma source(%dma_start3A_46 : memref<100000x8xf32, #tpu.memory_space<vmem_shared>>) target(%arg13 : memref<2000x8xf32, #tpu.memory_space<vmem>>) offsets(%arg7 : memref<2000xi32, #tpu.memory_space<vmem>>) semaphore(%arg23 : memref<!tpu.dma_semaphore, #tpu.memory_space<semaphore_mem>>)
    %dma_start3A_47 = arith.constant 0 : i32
    %dma_start3A_48 = arith.constant 0 : i32
    %dma_start3A_49 = tpu.memref_slice %arg18[%dma_start3A_47, %dma_start3A_48] : memref<100000x8xf32, #tpu.memory_space<vmem_shared>> -> memref<100000x8xf32, #tpu.memory_space<vmem_shared>>
    tpu.enqueue_indirect_dma source(%dma_start3A_49 : memref<100000x8xf32, #tpu.memory_space<vmem_shared>>) target(%arg15 : memref<2000x8xf32, #tpu.memory_space<vmem>>) offsets(%arg9 : memref<2000xi32, #tpu.memory_space<vmem>>) semaphore(%arg25 : memref<!tpu.dma_semaphore, #tpu.memory_space<semaphore_mem>>)
    %broadcast_in_dim3A_50 = arith.constant 0.000000e+00 : f32
    %broadcast_in_dim3A_51 = vector.broadcast %broadcast_in_dim3A_50 : f32 to vector<16xf32>
    %scan3A = arith.constant 0 : i32
    %scan3A_52 = arith.constant 50 : i32
    %scan3A_53 = arith.addi %scan3A, %scan3A_52 : i32
    %scan3A_54 = arith.constant 1 : i32
    %scan3A_55:2 = scf.for %scan3A_64 = %scan3A to %scan3A_53 step %scan3A_54 iter_args(%scan3A_65 = %broadcast_in_dim3A_51, %scan3A_66 = %broadcast_in_dim3A_51) -> (vector<16xf32>, vector<16xf32>)  : i32 {
      %mul3A_67 = arith.constant 2 : i32
      %mul3A_68 = arith.muli %scan3A_64, %mul3A_67 : i32
      %add3A_69 = arith.constant 0 : i32
      %add3A_70 = arith.addi %mul3A_68, %add3A_69 : i32
      %lt3A = arith.constant 49 : i32
      %lt3A_71 = arith.cmpi slt, %scan3A_64, %lt3A : i32
      %add3A_72 = arith.constant 1 : i32
      %add3A_73 = arith.addi %add3A_70, %add3A_72 : i32
      %mul3A_74 = arith.constant 2000 : i32
      %mul3A_75 = arith.muli %add3A_73, %mul3A_74 : i32
      %add3A_76 = arith.addi %mul3A_2, %mul3A_75 : i32
      %dma_wait3A_77 = tpu.memref_slice %arg3[%add3A_76] : memref<6400000xi32, #tpu.memory_space<hbm>> -> memref<2000xi32, #tpu.memory_space<hbm>>
      %dma_wait3A_78 = tpu.memref_slice %arg3[%add3A_76] : memref<6400000xi32, #tpu.memory_space<hbm>> -> memref<2000xi32, #tpu.memory_space<hbm>>
      tpu.wait_dma2 semaphore(%arg20 : memref<!tpu.dma_semaphore, #tpu.memory_space<semaphore_mem>>) src(%dma_wait3A_78 : memref<2000xi32, #tpu.memory_space<hbm>>) dst(%arg8 : memref<2000xi32, #tpu.memory_space<vmem>>)
      %dma_wait3A_79 = tpu.memref_slice %arg4[%add3A_76] : memref<6400000xi32, #tpu.memory_space<hbm>> -> memref<2000xi32, #tpu.memory_space<hbm>>
      %dma_wait3A_80 = tpu.memref_slice %arg4[%add3A_76] : memref<6400000xi32, #tpu.memory_space<hbm>> -> memref<2000xi32, #tpu.memory_space<hbm>>
      tpu.wait_dma2 semaphore(%arg20 : memref<!tpu.dma_semaphore, #tpu.memory_space<semaphore_mem>>) src(%dma_wait3A_80 : memref<2000xi32, #tpu.memory_space<hbm>>) dst(%arg10 : memref<2000xi32, #tpu.memory_space<vmem>>)
      %dma_start3A_81 = arith.constant 0 : i32
      %dma_start3A_82 = arith.constant 0 : i32
      %dma_start3A_83 = tpu.memref_slice %arg18[%dma_start3A_81, %dma_start3A_82] : memref<100000x8xf32, #tpu.memory_space<vmem_shared>> -> memref<100000x8xf32, #tpu.memory_space<vmem_shared>>
      tpu.enqueue_indirect_dma source(%dma_start3A_83 : memref<100000x8xf32, #tpu.memory_space<vmem_shared>>) target(%arg14 : memref<2000x8xf32, #tpu.memory_space<vmem>>) offsets(%arg8 : memref<2000xi32, #tpu.memory_space<vmem>>) semaphore(%arg24 : memref<!tpu.dma_semaphore, #tpu.memory_space<semaphore_mem>>)
      %dma_start3A_84 = arith.constant 0 : i32
      %dma_start3A_85 = arith.constant 0 : i32
      %dma_start3A_86 = tpu.memref_slice %arg18[%dma_start3A_84, %dma_start3A_85] : memref<100000x8xf32, #tpu.memory_space<vmem_shared>> -> memref<100000x8xf32, #tpu.memory_space<vmem_shared>>
      tpu.enqueue_indirect_dma source(%dma_start3A_86 : memref<100000x8xf32, #tpu.memory_space<vmem_shared>>) target(%arg16 : memref<2000x8xf32, #tpu.memory_space<vmem>>) offsets(%arg10 : memref<2000xi32, #tpu.memory_space<vmem>>) semaphore(%arg26 : memref<!tpu.dma_semaphore, #tpu.memory_space<semaphore_mem>>)
      %dma_wait3A_87 = arith.constant 0 : i32
      %dma_wait3A_88 = arith.constant 0 : i32
      %dma_wait3A_89 = tpu.memref_slice %arg18[%dma_wait3A_87, %dma_wait3A_88] : memref<100000x8xf32, #tpu.memory_space<vmem_shared>> -> memref<100000x8xf32, #tpu.memory_space<vmem_shared>>
      tpu.wait_indirect_dma semaphore(%arg23 : memref<!tpu.dma_semaphore, #tpu.memory_space<semaphore_mem>>) src(%dma_wait3A_89 : memref<100000x8xf32, #tpu.memory_space<vmem_shared>>) dst(%arg13 : memref<2000x8xf32, #tpu.memory_space<vmem>>)
      %dma_wait3A_90 = arith.constant 0 : i32
      %dma_wait3A_91 = arith.constant 0 : i32
      %dma_wait3A_92 = tpu.memref_slice %arg18[%dma_wait3A_90, %dma_wait3A_91] : memref<100000x8xf32, #tpu.memory_space<vmem_shared>> -> memref<100000x8xf32, #tpu.memory_space<vmem_shared>>
      tpu.wait_indirect_dma semaphore(%arg25 : memref<!tpu.dma_semaphore, #tpu.memory_space<semaphore_mem>>) src(%dma_wait3A_92 : memref<100000x8xf32, #tpu.memory_space<vmem_shared>>) dst(%arg15 : memref<2000x8xf32, #tpu.memory_space<vmem>>)
      %convert_element_type3A = arith.extui %lt3A_71 : i1 to i32
      %cond3A = arith.constant 0 : i32
      %cond3A_93 = arith.cmpi ne, %convert_element_type3A, %cond3A : i32
      scf.if %cond3A_93 {
        %add3A_135 = arith.constant 2 : i32
        %add3A_136 = arith.addi %add3A_70, %add3A_135 : i32
        %mul3A_137 = arith.constant 2000 : i32
        %mul3A_138 = arith.muli %add3A_136, %mul3A_137 : i32
        %add3A_139 = arith.addi %mul3A_2, %mul3A_138 : i32
        %dma_start3A_140 = tpu.memref_slice %arg3[%add3A_139] : memref<6400000xi32, #tpu.memory_space<hbm>> -> memref<2000xi32, #tpu.memory_space<hbm>>
        %dma_start3A_141 = tpu.memref_slice %arg3[%add3A_139] : memref<6400000xi32, #tpu.memory_space<hbm>> -> memref<2000xi32, #tpu.memory_space<hbm>>
        tpu.enqueue_dma source(%dma_start3A_141 : memref<2000xi32, #tpu.memory_space<hbm>>) target(%arg7 : memref<2000xi32, #tpu.memory_space<vmem>>) target_semaphore(%arg19 : memref<!tpu.dma_semaphore, #tpu.memory_space<semaphore_mem>>)
        %dma_start3A_142 = tpu.memref_slice %arg4[%add3A_139] : memref<6400000xi32, #tpu.memory_space<hbm>> -> memref<2000xi32, #tpu.memory_space<hbm>>
        %dma_start3A_143 = tpu.memref_slice %arg4[%add3A_139] : memref<6400000xi32, #tpu.memory_space<hbm>> -> memref<2000xi32, #tpu.memory_space<hbm>>
        tpu.enqueue_dma source(%dma_start3A_143 : memref<2000xi32, #tpu.memory_space<hbm>>) target(%arg9 : memref<2000xi32, #tpu.memory_space<vmem>>) target_semaphore(%arg19 : memref<!tpu.dma_semaphore, #tpu.memory_space<semaphore_mem>>)
      } else {
      }
      %mul3A_94 = arith.constant 2000 : i32
      %mul3A_95 = arith.muli %add3A_70, %mul3A_94 : i32
      %add3A_96 = arith.addi %mul3A_2, %mul3A_95 : i32
      %dma_wait3A_97 = tpu.memref_slice %arg5[%add3A_96] : memref<6400000xf32, #tpu.memory_space<hbm>> -> memref<2000xf32, #tpu.memory_space<hbm>>
      %dma_wait3A_98 = tpu.memref_slice %arg5[%add3A_96] : memref<6400000xf32, #tpu.memory_space<hbm>> -> memref<2000xf32, #tpu.memory_space<hbm>>
      tpu.wait_dma2 semaphore(%arg21 : memref<!tpu.dma_semaphore, #tpu.memory_space<semaphore_mem>>) src(%dma_wait3A_98 : memref<2000xf32, #tpu.memory_space<hbm>>) dst(%arg11 : memref<2000xf32, #tpu.memory_space<vmem>>)
      %parallel_loop3A = arith.constant 0 : i32
      %parallel_loop3A_99 = arith.constant 125 : i32
      %parallel_loop3A_100 = arith.constant 1 : i32
      %parallel_loop3A_101:2 = scf.for %parallel_loop3A_135 = %parallel_loop3A to %parallel_loop3A_99 step %parallel_loop3A_100 iter_args(%parallel_loop3A_136 = %scan3A_65, %parallel_loop3A_137 = %scan3A_66) -> (vector<16xf32>, vector<16xf32>)  : i32 {
        %parallel_loop3A_138 = arith.constant 16 : i32
        %parallel_loop3A_139 = arith.muli %parallel_loop3A_135, %parallel_loop3A_138 : i32
        %parallel_loop3A_140 = vector.broadcast %parallel_loop3A_139 : i32 to vector<16xi32>
        %parallel_loop3A_141 = arith.addi %parallel_loop3A_140, %iota3A : vector<16xi32>
        %parallel_loop3A_142 = tpu.vector_load_idx %arg13[%parallel_loop3A_141, %broadcast_in_dim3A_3] : memref<2000x8xf32, #tpu.memory_space<vmem>>[vector<16xi32>, vector<16xi32>], vector<16xf32>,
        %parallel_loop3A_143 = tpu.vector_load_idx %arg13[%parallel_loop3A_141, %broadcast_in_dim3A_5] : memref<2000x8xf32, #tpu.memory_space<vmem>>[vector<16xi32>, vector<16xi32>], vector<16xf32>,
        %parallel_loop3A_144 = tpu.vector_load_idx %arg13[%parallel_loop3A_141, %broadcast_in_dim3A_7] : memref<2000x8xf32, #tpu.memory_space<vmem>>[vector<16xi32>, vector<16xi32>], vector<16xf32>,
        %parallel_loop3A_145 = tpu.vector_load_idx %arg13[%parallel_loop3A_141, %broadcast_in_dim3A_9] : memref<2000x8xf32, #tpu.memory_space<vmem>>[vector<16xi32>, vector<16xi32>], vector<16xf32>,
        %parallel_loop3A_146 = tpu.vector_load_idx %arg13[%parallel_loop3A_141, %broadcast_in_dim3A_11] : memref<2000x8xf32, #tpu.memory_space<vmem>>[vector<16xi32>, vector<16xi32>], vector<16xf32>,
        %parallel_loop3A_147 = tpu.vector_load_idx %arg13[%parallel_loop3A_141, %broadcast_in_dim3A_13] : memref<2000x8xf32, #tpu.memory_space<vmem>>[vector<16xi32>, vector<16xi32>], vector<16xf32>,
        %parallel_loop3A_148 = tpu.vector_load_idx %arg13[%parallel_loop3A_141, %broadcast_in_dim3A_15] : memref<2000x8xf32, #tpu.memory_space<vmem>>[vector<16xi32>, vector<16xi32>], vector<16xf32>,
        %parallel_loop3A_149 = tpu.vector_load_idx %arg15[%parallel_loop3A_141, %broadcast_in_dim3A_3] : memref<2000x8xf32, #tpu.memory_space<vmem>>[vector<16xi32>, vector<16xi32>], vector<16xf32>,
        %parallel_loop3A_150 = tpu.vector_load_idx %arg15[%parallel_loop3A_141, %broadcast_in_dim3A_5] : memref<2000x8xf32, #tpu.memory_space<vmem>>[vector<16xi32>, vector<16xi32>], vector<16xf32>,
        %parallel_loop3A_151 = tpu.vector_load_idx %arg15[%parallel_loop3A_141, %broadcast_in_dim3A_7] : memref<2000x8xf32, #tpu.memory_space<vmem>>[vector<16xi32>, vector<16xi32>], vector<16xf32>,
        %parallel_loop3A_152 = tpu.vector_load_idx %arg15[%parallel_loop3A_141, %broadcast_in_dim3A_9] : memref<2000x8xf32, #tpu.memory_space<vmem>>[vector<16xi32>, vector<16xi32>], vector<16xf32>,
        %parallel_loop3A_153 = tpu.vector_load_idx %arg15[%parallel_loop3A_141, %broadcast_in_dim3A_11] : memref<2000x8xf32, #tpu.memory_space<vmem>>[vector<16xi32>, vector<16xi32>], vector<16xf32>,
        %parallel_loop3A_154 = tpu.vector_load_idx %arg15[%parallel_loop3A_141, %broadcast_in_dim3A_13] : memref<2000x8xf32, #tpu.memory_space<vmem>>[vector<16xi32>, vector<16xi32>], vector<16xf32>,
        %parallel_loop3A_155 = arith.constant 16 : i32
        %parallel_loop3A_156 = arith.muli %parallel_loop3A_135, %parallel_loop3A_155 : i32
        %parallel_loop3A_157 = arith.index_cast %parallel_loop3A_156 : i32 to index
        %parallel_loop3A_158 = tpu.vector_load %arg11[%parallel_loop3A_157] {strides = array<i32>} : memref<2000xf32, #tpu.memory_space<vmem>>, vector<16xf32>,
        %parallel_loop3A_159 = arith.subf %parallel_loop3A_142, %parallel_loop3A_149 : vector<16xf32>
        %parallel_loop3A_160 = arith.subf %parallel_loop3A_143, %parallel_loop3A_150 : vector<16xf32>
        %parallel_loop3A_161 = arith.subf %parallel_loop3A_144, %parallel_loop3A_151 : vector<16xf32>
        %parallel_loop3A_162 = arith.mulf %parallel_loop3A_159, %parallel_loop3A_159 : vector<16xf32>
        %parallel_loop3A_163 = arith.mulf %parallel_loop3A_160, %parallel_loop3A_160 : vector<16xf32>
        %parallel_loop3A_164 = arith.addf %parallel_loop3A_162, %parallel_loop3A_163 : vector<16xf32>
        %parallel_loop3A_165 = arith.mulf %parallel_loop3A_161, %parallel_loop3A_161 : vector<16xf32>
        %parallel_loop3A_166 = arith.addf %parallel_loop3A_164, %parallel_loop3A_165 : vector<16xf32>
        %parallel_loop3A_167 = arith.constant 9.99999993E-9 : f32
        %parallel_loop3A_168 = vector.broadcast %parallel_loop3A_167 : f32 to vector<16xf32>
        %parallel_loop3A_169 = arith.maximumf %parallel_loop3A_166, %parallel_loop3A_168 : vector<16xf32>
        %parallel_loop3A_170 = arith.subf %parallel_loop3A_145, %parallel_loop3A_152 : vector<16xf32>
        %parallel_loop3A_171 = arith.subf %parallel_loop3A_146, %parallel_loop3A_153 : vector<16xf32>
        %parallel_loop3A_172 = arith.subf %parallel_loop3A_147, %parallel_loop3A_154 : vector<16xf32>
        %parallel_loop3A_173 = arith.mulf %parallel_loop3A_170, %parallel_loop3A_170 : vector<16xf32>
        %parallel_loop3A_174 = arith.mulf %parallel_loop3A_171, %parallel_loop3A_171 : vector<16xf32>
        %parallel_loop3A_175 = arith.addf %parallel_loop3A_173, %parallel_loop3A_174 : vector<16xf32>
        %parallel_loop3A_176 = arith.mulf %parallel_loop3A_172, %parallel_loop3A_172 : vector<16xf32>
        %parallel_loop3A_177 = arith.addf %parallel_loop3A_175, %parallel_loop3A_176 : vector<16xf32>
        %parallel_loop3A_178 = arith.constant 9.99999993E-9 : f32
        %parallel_loop3A_179 = vector.broadcast %parallel_loop3A_178 : f32 to vector<16xf32>
        %parallel_loop3A_180 = arith.maximumf %parallel_loop3A_177, %parallel_loop3A_179 : vector<16xf32>
        %parallel_loop3A_181 = arith.mulf %parallel_loop3A_169, %parallel_loop3A_180 : vector<16xf32>
        %parallel_loop3A_182 = vector.bitcast %parallel_loop3A_181 : vector<16xf32> to vector<16xi32>
        %parallel_loop3A_183 = arith.constant 1 : i32
        %parallel_loop3A_184 = vector.broadcast %parallel_loop3A_183 : i32 to vector<16xi32>
        %parallel_loop3A_185 = arith.shrsi %parallel_loop3A_182, %parallel_loop3A_184 : vector<16xi32>
        %parallel_loop3A_186 = arith.constant 1597463007 : i32
        %parallel_loop3A_187 = vector.broadcast %parallel_loop3A_186 : i32 to vector<16xi32>
        %parallel_loop3A_188 = arith.subi %parallel_loop3A_187, %parallel_loop3A_185 : vector<16xi32>
        %parallel_loop3A_189 = vector.bitcast %parallel_loop3A_188 : vector<16xi32> to vector<16xf32>
        %parallel_loop3A_190 = arith.constant 5.000000e-01 : f32
        %parallel_loop3A_191 = vector.broadcast %parallel_loop3A_190 : f32 to vector<16xf32>
        %parallel_loop3A_192 = arith.mulf %parallel_loop3A_191, %parallel_loop3A_181 : vector<16xf32>
        %parallel_loop3A_193 = arith.mulf %parallel_loop3A_192, %parallel_loop3A_189 : vector<16xf32>
        %parallel_loop3A_194 = arith.mulf %parallel_loop3A_193, %parallel_loop3A_189 : vector<16xf32>
        %parallel_loop3A_195 = arith.constant 1.500000e+00 : f32
        %parallel_loop3A_196 = vector.broadcast %parallel_loop3A_195 : f32 to vector<16xf32>
        %parallel_loop3A_197 = arith.subf %parallel_loop3A_196, %parallel_loop3A_194 : vector<16xf32>
        %parallel_loop3A_198 = arith.mulf %parallel_loop3A_189, %parallel_loop3A_197 : vector<16xf32>
        %parallel_loop3A_199 = arith.constant 5.000000e-01 : f32
        %parallel_loop3A_200 = vector.broadcast %parallel_loop3A_199 : f32 to vector<16xf32>
        %parallel_loop3A_201 = arith.mulf %parallel_loop3A_200, %parallel_loop3A_181 : vector<16xf32>
        %parallel_loop3A_202 = arith.mulf %parallel_loop3A_201, %parallel_loop3A_198 : vector<16xf32>
        %parallel_loop3A_203 = arith.mulf %parallel_loop3A_202, %parallel_loop3A_198 : vector<16xf32>
        %parallel_loop3A_204 = arith.constant 1.500000e+00 : f32
        %parallel_loop3A_205 = vector.broadcast %parallel_loop3A_204 : f32 to vector<16xf32>
        %parallel_loop3A_206 = arith.subf %parallel_loop3A_205, %parallel_loop3A_203 : vector<16xf32>
        %parallel_loop3A_207 = arith.mulf %parallel_loop3A_198, %parallel_loop3A_206 : vector<16xf32>
        %parallel_loop3A_208 = arith.mulf %parallel_loop3A_181, %parallel_loop3A_207 : vector<16xf32>
        %parallel_loop3A_209 = arith.addf %parallel_loop3A_169, %parallel_loop3A_180 : vector<16xf32>
        %parallel_loop3A_210 = arith.constant 2.000000e+00 : f32
        %parallel_loop3A_211 = vector.broadcast %parallel_loop3A_210 : f32 to vector<16xf32>
        %parallel_loop3A_212 = arith.mulf %parallel_loop3A_211, %parallel_loop3A_208 : vector<16xf32>
        %parallel_loop3A_213 = arith.subf %parallel_loop3A_209, %parallel_loop3A_212 : vector<16xf32>
        %parallel_loop3A_214 = arith.constant 1.600000e+01 : f32
        %parallel_loop3A_215 = vector.broadcast %parallel_loop3A_214 : f32 to vector<16xf32>
        %parallel_loop3A_216 = arith.cmpf olt, %parallel_loop3A_169, %parallel_loop3A_215 : vector<16xf32>
        %parallel_loop3A_217 = arith.constant 0.000000e+00 : f32
        %parallel_loop3A_218 = vector.broadcast %parallel_loop3A_217 : f32 to vector<16xf32>
        %parallel_loop3A_219 = arith.select %parallel_loop3A_216, %parallel_loop3A_158, %parallel_loop3A_218 : vector<16xi1>, vector<16xf32>
        %parallel_loop3A_220 = arith.mulf %parallel_loop3A_219, %parallel_loop3A_148 : vector<16xf32>
        %parallel_loop3A_221 = arith.mulf %parallel_loop3A_220, %parallel_loop3A_213 : vector<16xf32>
        %parallel_loop3A_222 = arith.addf %parallel_loop3A_136, %parallel_loop3A_221 : vector<16xf32>
        %parallel_loop3A_223 = arith.addf %parallel_loop3A_137, %parallel_loop3A_219 : vector<16xf32>
        scf.yield %parallel_loop3A_222, %parallel_loop3A_223 : vector<16xf32>, vector<16xf32>
      } {sc.loop_unroll_factor = 5 : i64, sc.parallel_access}
      %convert_element_type3A_102 = arith.extui %lt3A_71 : i1 to i32
      %cond3A_103 = arith.constant 0 : i32
      %cond3A_104 = arith.cmpi ne, %convert_element_type3A_102, %cond3A_103 : i32
      scf.if %cond3A_104 {
        %add3A_135 = arith.constant 2 : i32
        %add3A_136 = arith.addi %add3A_70, %add3A_135 : i32
        %mul3A_137 = arith.constant 2000 : i32
        %mul3A_138 = arith.muli %add3A_136, %mul3A_137 : i32
        %add3A_139 = arith.addi %mul3A_2, %mul3A_138 : i32
        %dma_start3A_140 = tpu.memref_slice %arg5[%add3A_139] : memref<6400000xf32, #tpu.memory_space<hbm>> -> memref<2000xf32, #tpu.memory_space<hbm>>
        %dma_start3A_141 = tpu.memref_slice %arg5[%add3A_139] : memref<6400000xf32, #tpu.memory_space<hbm>> -> memref<2000xf32, #tpu.memory_space<hbm>>
        tpu.enqueue_dma source(%dma_start3A_141 : memref<2000xf32, #tpu.memory_space<hbm>>) target(%arg11 : memref<2000xf32, #tpu.memory_space<vmem>>) target_semaphore(%arg21 : memref<!tpu.dma_semaphore, #tpu.memory_space<semaphore_mem>>)
      } else {
      }
      %mul3A_105 = arith.constant 2 : i32
      %mul3A_106 = arith.muli %scan3A_64, %mul3A_105 : i32
      %add3A_107 = arith.constant 1 : i32
      %add3A_108 = arith.addi %mul3A_106, %add3A_107 : i32
      %lt3A_109 = arith.constant 49 : i32
      %lt3A_110 = arith.cmpi slt, %scan3A_64, %lt3A_109 : i32
      %convert_element_type3A_111 = arith.extui %lt3A_110 : i1 to i32
      %cond3A_112 = arith.constant 0 : i32
      %cond3A_113 = arith.cmpi ne, %convert_element_type3A_111, %cond3A_112 : i32
      scf.if %cond3A_113 {
        %add3A_135 = arith.constant 1 : i32
        %add3A_136 = arith.addi %add3A_108, %add3A_135 : i32
        %mul3A_137 = arith.constant 2000 : i32
        %mul3A_138 = arith.muli %add3A_136, %mul3A_137 : i32
        %add3A_139 = arith.addi %mul3A_2, %mul3A_138 : i32
        %dma_wait3A_140 = tpu.memref_slice %arg3[%add3A_139] : memref<6400000xi32, #tpu.memory_space<hbm>> -> memref<2000xi32, #tpu.memory_space<hbm>>
        %dma_wait3A_141 = tpu.memref_slice %arg3[%add3A_139] : memref<6400000xi32, #tpu.memory_space<hbm>> -> memref<2000xi32, #tpu.memory_space<hbm>>
        tpu.wait_dma2 semaphore(%arg19 : memref<!tpu.dma_semaphore, #tpu.memory_space<semaphore_mem>>) src(%dma_wait3A_141 : memref<2000xi32, #tpu.memory_space<hbm>>) dst(%arg7 : memref<2000xi32, #tpu.memory_space<vmem>>)
        %dma_wait3A_142 = tpu.memref_slice %arg4[%add3A_139] : memref<6400000xi32, #tpu.memory_space<hbm>> -> memref<2000xi32, #tpu.memory_space<hbm>>
        %dma_wait3A_143 = tpu.memref_slice %arg4[%add3A_139] : memref<6400000xi32, #tpu.memory_space<hbm>> -> memref<2000xi32, #tpu.memory_space<hbm>>
        tpu.wait_dma2 semaphore(%arg19 : memref<!tpu.dma_semaphore, #tpu.memory_space<semaphore_mem>>) src(%dma_wait3A_143 : memref<2000xi32, #tpu.memory_space<hbm>>) dst(%arg9 : memref<2000xi32, #tpu.memory_space<vmem>>)
        %dma_start3A_144 = arith.constant 0 : i32
        %dma_start3A_145 = arith.constant 0 : i32
        %dma_start3A_146 = tpu.memref_slice %arg18[%dma_start3A_144, %dma_start3A_145] : memref<100000x8xf32, #tpu.memory_space<vmem_shared>> -> memref<100000x8xf32, #tpu.memory_space<vmem_shared>>
        tpu.enqueue_indirect_dma source(%dma_start3A_146 : memref<100000x8xf32, #tpu.memory_space<vmem_shared>>) target(%arg13 : memref<2000x8xf32, #tpu.memory_space<vmem>>) offsets(%arg7 : memref<2000xi32, #tpu.memory_space<vmem>>) semaphore(%arg23 : memref<!tpu.dma_semaphore, #tpu.memory_space<semaphore_mem>>)
        %dma_start3A_147 = arith.constant 0 : i32
        %dma_start3A_148 = arith.constant 0 : i32
        %dma_start3A_149 = tpu.memref_slice %arg18[%dma_start3A_147, %dma_start3A_148] : memref<100000x8xf32, #tpu.memory_space<vmem_shared>> -> memref<100000x8xf32, #tpu.memory_space<vmem_shared>>
        tpu.enqueue_indirect_dma source(%dma_start3A_149 : memref<100000x8xf32, #tpu.memory_space<vmem_shared>>) target(%arg15 : memref<2000x8xf32, #tpu.memory_space<vmem>>) offsets(%arg9 : memref<2000xi32, #tpu.memory_space<vmem>>) semaphore(%arg25 : memref<!tpu.dma_semaphore, #tpu.memory_space<semaphore_mem>>)
      } else {
      }
      %dma_wait3A_114 = arith.constant 0 : i32
      %dma_wait3A_115 = arith.constant 0 : i32
      %dma_wait3A_116 = tpu.memref_slice %arg18[%dma_wait3A_114, %dma_wait3A_115] : memref<100000x8xf32, #tpu.memory_space<vmem_shared>> -> memref<100000x8xf32, #tpu.memory_space<vmem_shared>>
      tpu.wait_indirect_dma semaphore(%arg24 : memref<!tpu.dma_semaphore, #tpu.memory_space<semaphore_mem>>) src(%dma_wait3A_116 : memref<100000x8xf32, #tpu.memory_space<vmem_shared>>) dst(%arg14 : memref<2000x8xf32, #tpu.memory_space<vmem>>)
      %dma_wait3A_117 = arith.constant 0 : i32
      %dma_wait3A_118 = arith.constant 0 : i32
      %dma_wait3A_119 = tpu.memref_slice %arg18[%dma_wait3A_117, %dma_wait3A_118] : memref<100000x8xf32, #tpu.memory_space<vmem_shared>> -> memref<100000x8xf32, #tpu.memory_space<vmem_shared>>
      tpu.wait_indirect_dma semaphore(%arg26 : memref<!tpu.dma_semaphore, #tpu.memory_space<semaphore_mem>>) src(%dma_wait3A_119 : memref<100000x8xf32, #tpu.memory_space<vmem_shared>>) dst(%arg16 : memref<2000x8xf32, #tpu.memory_space<vmem>>)
      %convert_element_type3A_120 = arith.extui %lt3A_110 : i1 to i32
      %cond3A_121 = arith.constant 0 : i32
      %cond3A_122 = arith.cmpi ne, %convert_element_type3A_120, %cond3A_121 : i32
      scf.if %cond3A_122 {
        %add3A_135 = arith.constant 2 : i32
        %add3A_136 = arith.addi %add3A_108, %add3A_135 : i32
        %mul3A_137 = arith.constant 2000 : i32
        %mul3A_138 = arith.muli %add3A_136, %mul3A_137 : i32
        %add3A_139 = arith.addi %mul3A_2, %mul3A_138 : i32
        %dma_start3A_140 = tpu.memref_slice %arg3[%add3A_139] : memref<6400000xi32, #tpu.memory_space<hbm>> -> memref<2000xi32, #tpu.memory_space<hbm>>
        %dma_start3A_141 = tpu.memref_slice %arg3[%add3A_139] : memref<6400000xi32, #tpu.memory_space<hbm>> -> memref<2000xi32, #tpu.memory_space<hbm>>
        tpu.enqueue_dma source(%dma_start3A_141 : memref<2000xi32, #tpu.memory_space<hbm>>) target(%arg8 : memref<2000xi32, #tpu.memory_space<vmem>>) target_semaphore(%arg20 : memref<!tpu.dma_semaphore, #tpu.memory_space<semaphore_mem>>)
        %dma_start3A_142 = tpu.memref_slice %arg4[%add3A_139] : memref<6400000xi32, #tpu.memory_space<hbm>> -> memref<2000xi32, #tpu.memory_space<hbm>>
        %dma_start3A_143 = tpu.memref_slice %arg4[%add3A_139] : memref<6400000xi32, #tpu.memory_space<hbm>> -> memref<2000xi32, #tpu.memory_space<hbm>>
        tpu.enqueue_dma source(%dma_start3A_143 : memref<2000xi32, #tpu.memory_space<hbm>>) target(%arg10 : memref<2000xi32, #tpu.memory_space<vmem>>) target_semaphore(%arg20 : memref<!tpu.dma_semaphore, #tpu.memory_space<semaphore_mem>>)
      } else {
      }
      %mul3A_123 = arith.constant 2000 : i32
      %mul3A_124 = arith.muli %add3A_108, %mul3A_123 : i32
      %add3A_125 = arith.addi %mul3A_2, %mul3A_124 : i32
      %dma_wait3A_126 = tpu.memref_slice %arg5[%add3A_125] : memref<6400000xf32, #tpu.memory_space<hbm>> -> memref<2000xf32, #tpu.memory_space<hbm>>
      %dma_wait3A_127 = tpu.memref_slice %arg5[%add3A_125] : memref<6400000xf32, #tpu.memory_space<hbm>> -> memref<2000xf32, #tpu.memory_space<hbm>>
      tpu.wait_dma2 semaphore(%arg22 : memref<!tpu.dma_semaphore, #tpu.memory_space<semaphore_mem>>) src(%dma_wait3A_127 : memref<2000xf32, #tpu.memory_space<hbm>>) dst(%arg12 : memref<2000xf32, #tpu.memory_space<vmem>>)
      %parallel_loop3A_128 = arith.constant 0 : i32
      %parallel_loop3A_129 = arith.constant 125 : i32
      %parallel_loop3A_130 = arith.constant 1 : i32
      %parallel_loop3A_131:2 = scf.for %parallel_loop3A_135 = %parallel_loop3A_128 to %parallel_loop3A_129 step %parallel_loop3A_130 iter_args(%parallel_loop3A_136 = %parallel_loop3A_101#0, %parallel_loop3A_137 = %parallel_loop3A_101#1) -> (vector<16xf32>, vector<16xf32>)  : i32 {
        %parallel_loop3A_138 = arith.constant 16 : i32
        %parallel_loop3A_139 = arith.muli %parallel_loop3A_135, %parallel_loop3A_138 : i32
        %parallel_loop3A_140 = vector.broadcast %parallel_loop3A_139 : i32 to vector<16xi32>
        %parallel_loop3A_141 = arith.addi %parallel_loop3A_140, %iota3A : vector<16xi32>
        %parallel_loop3A_142 = tpu.vector_load_idx %arg14[%parallel_loop3A_141, %broadcast_in_dim3A_3] : memref<2000x8xf32, #tpu.memory_space<vmem>>[vector<16xi32>, vector<16xi32>], vector<16xf32>,
        %parallel_loop3A_143 = tpu.vector_load_idx %arg14[%parallel_loop3A_141, %broadcast_in_dim3A_5] : memref<2000x8xf32, #tpu.memory_space<vmem>>[vector<16xi32>, vector<16xi32>], vector<16xf32>,
        %parallel_loop3A_144 = tpu.vector_load_idx %arg14[%parallel_loop3A_141, %broadcast_in_dim3A_7] : memref<2000x8xf32, #tpu.memory_space<vmem>>[vector<16xi32>, vector<16xi32>], vector<16xf32>,
        %parallel_loop3A_145 = tpu.vector_load_idx %arg14[%parallel_loop3A_141, %broadcast_in_dim3A_9] : memref<2000x8xf32, #tpu.memory_space<vmem>>[vector<16xi32>, vector<16xi32>], vector<16xf32>,
        %parallel_loop3A_146 = tpu.vector_load_idx %arg14[%parallel_loop3A_141, %broadcast_in_dim3A_11] : memref<2000x8xf32, #tpu.memory_space<vmem>>[vector<16xi32>, vector<16xi32>], vector<16xf32>,
        %parallel_loop3A_147 = tpu.vector_load_idx %arg14[%parallel_loop3A_141, %broadcast_in_dim3A_13] : memref<2000x8xf32, #tpu.memory_space<vmem>>[vector<16xi32>, vector<16xi32>], vector<16xf32>,
        %parallel_loop3A_148 = tpu.vector_load_idx %arg14[%parallel_loop3A_141, %broadcast_in_dim3A_15] : memref<2000x8xf32, #tpu.memory_space<vmem>>[vector<16xi32>, vector<16xi32>], vector<16xf32>,
        %parallel_loop3A_149 = tpu.vector_load_idx %arg16[%parallel_loop3A_141, %broadcast_in_dim3A_3] : memref<2000x8xf32, #tpu.memory_space<vmem>>[vector<16xi32>, vector<16xi32>], vector<16xf32>,
        %parallel_loop3A_150 = tpu.vector_load_idx %arg16[%parallel_loop3A_141, %broadcast_in_dim3A_5] : memref<2000x8xf32, #tpu.memory_space<vmem>>[vector<16xi32>, vector<16xi32>], vector<16xf32>,
        %parallel_loop3A_151 = tpu.vector_load_idx %arg16[%parallel_loop3A_141, %broadcast_in_dim3A_7] : memref<2000x8xf32, #tpu.memory_space<vmem>>[vector<16xi32>, vector<16xi32>], vector<16xf32>,
        %parallel_loop3A_152 = tpu.vector_load_idx %arg16[%parallel_loop3A_141, %broadcast_in_dim3A_9] : memref<2000x8xf32, #tpu.memory_space<vmem>>[vector<16xi32>, vector<16xi32>], vector<16xf32>,
        %parallel_loop3A_153 = tpu.vector_load_idx %arg16[%parallel_loop3A_141, %broadcast_in_dim3A_11] : memref<2000x8xf32, #tpu.memory_space<vmem>>[vector<16xi32>, vector<16xi32>], vector<16xf32>,
        %parallel_loop3A_154 = tpu.vector_load_idx %arg16[%parallel_loop3A_141, %broadcast_in_dim3A_13] : memref<2000x8xf32, #tpu.memory_space<vmem>>[vector<16xi32>, vector<16xi32>], vector<16xf32>,
        %parallel_loop3A_155 = arith.constant 16 : i32
        %parallel_loop3A_156 = arith.muli %parallel_loop3A_135, %parallel_loop3A_155 : i32
        %parallel_loop3A_157 = arith.index_cast %parallel_loop3A_156 : i32 to index
        %parallel_loop3A_158 = tpu.vector_load %arg12[%parallel_loop3A_157] {strides = array<i32>} : memref<2000xf32, #tpu.memory_space<vmem>>, vector<16xf32>,
        %parallel_loop3A_159 = arith.subf %parallel_loop3A_142, %parallel_loop3A_149 : vector<16xf32>
        %parallel_loop3A_160 = arith.subf %parallel_loop3A_143, %parallel_loop3A_150 : vector<16xf32>
        %parallel_loop3A_161 = arith.subf %parallel_loop3A_144, %parallel_loop3A_151 : vector<16xf32>
        %parallel_loop3A_162 = arith.mulf %parallel_loop3A_159, %parallel_loop3A_159 : vector<16xf32>
        %parallel_loop3A_163 = arith.mulf %parallel_loop3A_160, %parallel_loop3A_160 : vector<16xf32>
        %parallel_loop3A_164 = arith.addf %parallel_loop3A_162, %parallel_loop3A_163 : vector<16xf32>
        %parallel_loop3A_165 = arith.mulf %parallel_loop3A_161, %parallel_loop3A_161 : vector<16xf32>
        %parallel_loop3A_166 = arith.addf %parallel_loop3A_164, %parallel_loop3A_165 : vector<16xf32>
        %parallel_loop3A_167 = arith.constant 9.99999993E-9 : f32
        %parallel_loop3A_168 = vector.broadcast %parallel_loop3A_167 : f32 to vector<16xf32>
        %parallel_loop3A_169 = arith.maximumf %parallel_loop3A_166, %parallel_loop3A_168 : vector<16xf32>
        %parallel_loop3A_170 = arith.subf %parallel_loop3A_145, %parallel_loop3A_152 : vector<16xf32>
        %parallel_loop3A_171 = arith.subf %parallel_loop3A_146, %parallel_loop3A_153 : vector<16xf32>
        %parallel_loop3A_172 = arith.subf %parallel_loop3A_147, %parallel_loop3A_154 : vector<16xf32>
        %parallel_loop3A_173 = arith.mulf %parallel_loop3A_170, %parallel_loop3A_170 : vector<16xf32>
        %parallel_loop3A_174 = arith.mulf %parallel_loop3A_171, %parallel_loop3A_171 : vector<16xf32>
        %parallel_loop3A_175 = arith.addf %parallel_loop3A_173, %parallel_loop3A_174 : vector<16xf32>
        %parallel_loop3A_176 = arith.mulf %parallel_loop3A_172, %parallel_loop3A_172 : vector<16xf32>
        %parallel_loop3A_177 = arith.addf %parallel_loop3A_175, %parallel_loop3A_176 : vector<16xf32>
        %parallel_loop3A_178 = arith.constant 9.99999993E-9 : f32
        %parallel_loop3A_179 = vector.broadcast %parallel_loop3A_178 : f32 to vector<16xf32>
        %parallel_loop3A_180 = arith.maximumf %parallel_loop3A_177, %parallel_loop3A_179 : vector<16xf32>
        %parallel_loop3A_181 = arith.mulf %parallel_loop3A_169, %parallel_loop3A_180 : vector<16xf32>
        %parallel_loop3A_182 = vector.bitcast %parallel_loop3A_181 : vector<16xf32> to vector<16xi32>
        %parallel_loop3A_183 = arith.constant 1 : i32
        %parallel_loop3A_184 = vector.broadcast %parallel_loop3A_183 : i32 to vector<16xi32>
        %parallel_loop3A_185 = arith.shrsi %parallel_loop3A_182, %parallel_loop3A_184 : vector<16xi32>
        %parallel_loop3A_186 = arith.constant 1597463007 : i32
        %parallel_loop3A_187 = vector.broadcast %parallel_loop3A_186 : i32 to vector<16xi32>
        %parallel_loop3A_188 = arith.subi %parallel_loop3A_187, %parallel_loop3A_185 : vector<16xi32>
        %parallel_loop3A_189 = vector.bitcast %parallel_loop3A_188 : vector<16xi32> to vector<16xf32>
        %parallel_loop3A_190 = arith.constant 5.000000e-01 : f32
        %parallel_loop3A_191 = vector.broadcast %parallel_loop3A_190 : f32 to vector<16xf32>
        %parallel_loop3A_192 = arith.mulf %parallel_loop3A_191, %parallel_loop3A_181 : vector<16xf32>
        %parallel_loop3A_193 = arith.mulf %parallel_loop3A_192, %parallel_loop3A_189 : vector<16xf32>
        %parallel_loop3A_194 = arith.mulf %parallel_loop3A_193, %parallel_loop3A_189 : vector<16xf32>
        %parallel_loop3A_195 = arith.constant 1.500000e+00 : f32
        %parallel_loop3A_196 = vector.broadcast %parallel_loop3A_195 : f32 to vector<16xf32>
        %parallel_loop3A_197 = arith.subf %parallel_loop3A_196, %parallel_loop3A_194 : vector<16xf32>
        %parallel_loop3A_198 = arith.mulf %parallel_loop3A_189, %parallel_loop3A_197 : vector<16xf32>
        %parallel_loop3A_199 = arith.constant 5.000000e-01 : f32
        %parallel_loop3A_200 = vector.broadcast %parallel_loop3A_199 : f32 to vector<16xf32>
        %parallel_loop3A_201 = arith.mulf %parallel_loop3A_200, %parallel_loop3A_181 : vector<16xf32>
        %parallel_loop3A_202 = arith.mulf %parallel_loop3A_201, %parallel_loop3A_198 : vector<16xf32>
        %parallel_loop3A_203 = arith.mulf %parallel_loop3A_202, %parallel_loop3A_198 : vector<16xf32>
        %parallel_loop3A_204 = arith.constant 1.500000e+00 : f32
        %parallel_loop3A_205 = vector.broadcast %parallel_loop3A_204 : f32 to vector<16xf32>
        %parallel_loop3A_206 = arith.subf %parallel_loop3A_205, %parallel_loop3A_203 : vector<16xf32>
        %parallel_loop3A_207 = arith.mulf %parallel_loop3A_198, %parallel_loop3A_206 : vector<16xf32>
        %parallel_loop3A_208 = arith.mulf %parallel_loop3A_181, %parallel_loop3A_207 : vector<16xf32>
        %parallel_loop3A_209 = arith.addf %parallel_loop3A_169, %parallel_loop3A_180 : vector<16xf32>
        %parallel_loop3A_210 = arith.constant 2.000000e+00 : f32
        %parallel_loop3A_211 = vector.broadcast %parallel_loop3A_210 : f32 to vector<16xf32>
        %parallel_loop3A_212 = arith.mulf %parallel_loop3A_211, %parallel_loop3A_208 : vector<16xf32>
        %parallel_loop3A_213 = arith.subf %parallel_loop3A_209, %parallel_loop3A_212 : vector<16xf32>
        %parallel_loop3A_214 = arith.constant 1.600000e+01 : f32
        %parallel_loop3A_215 = vector.broadcast %parallel_loop3A_214 : f32 to vector<16xf32>
        %parallel_loop3A_216 = arith.cmpf olt, %parallel_loop3A_169, %parallel_loop3A_215 : vector<16xf32>
        %parallel_loop3A_217 = arith.constant 0.000000e+00 : f32
        %parallel_loop3A_218 = vector.broadcast %parallel_loop3A_217 : f32 to vector<16xf32>
        %parallel_loop3A_219 = arith.select %parallel_loop3A_216, %parallel_loop3A_158, %parallel_loop3A_218 : vector<16xi1>, vector<16xf32>
        %parallel_loop3A_220 = arith.mulf %parallel_loop3A_219, %parallel_loop3A_148 : vector<16xf32>
        %parallel_loop3A_221 = arith.mulf %parallel_loop3A_220, %parallel_loop3A_213 : vector<16xf32>
        %parallel_loop3A_222 = arith.addf %parallel_loop3A_136, %parallel_loop3A_221 : vector<16xf32>
        %parallel_loop3A_223 = arith.addf %parallel_loop3A_137, %parallel_loop3A_219 : vector<16xf32>
        scf.yield %parallel_loop3A_222, %parallel_loop3A_223 : vector<16xf32>, vector<16xf32>
      } {sc.loop_unroll_factor = 5 : i64, sc.parallel_access}
      %convert_element_type3A_132 = arith.extui %lt3A_110 : i1 to i32
      %cond3A_133 = arith.constant 0 : i32
      %cond3A_134 = arith.cmpi ne, %convert_element_type3A_132, %cond3A_133 : i32
      scf.if %cond3A_134 {
        %add3A_135 = arith.constant 2 : i32
        %add3A_136 = arith.addi %add3A_108, %add3A_135 : i32
        %mul3A_137 = arith.constant 2000 : i32
        %mul3A_138 = arith.muli %add3A_136, %mul3A_137 : i32
        %add3A_139 = arith.addi %mul3A_2, %mul3A_138 : i32
        %dma_start3A_140 = tpu.memref_slice %arg5[%add3A_139] : memref<6400000xf32, #tpu.memory_space<hbm>> -> memref<2000xf32, #tpu.memory_space<hbm>>
        %dma_start3A_141 = tpu.memref_slice %arg5[%add3A_139] : memref<6400000xf32, #tpu.memory_space<hbm>> -> memref<2000xf32, #tpu.memory_space<hbm>>
        tpu.enqueue_dma source(%dma_start3A_141 : memref<2000xf32, #tpu.memory_space<hbm>>) target(%arg12 : memref<2000xf32, #tpu.memory_space<vmem>>) target_semaphore(%arg22 : memref<!tpu.dma_semaphore, #tpu.memory_space<semaphore_mem>>)
      } else {
      }
      scf.yield %parallel_loop3A_131#0, %parallel_loop3A_131#1 : vector<16xf32>, vector<16xf32>
    }
    %scan3A_56 = arith.constant 50 : i32
    %swap3A = arith.constant 0 : i32
    %swap3A_57 = arith.index_cast %swap3A : i32 to index
    %swap3A_58 = arith.constant 0 : index
    %swap3A_59 = tpu.vector_load %arg17[%swap3A_57, %swap3A_58] {strides = array<i32>} : memref<2x16xf32, #tpu.memory_space<vmem>>, vector<16xf32>,
    tpu.vector_store %arg17[%swap3A_57, %swap3A_58], %scan3A_55#0 {strides = array<i32>} : memref<2x16xf32, #tpu.memory_space<vmem>>, vector<16xf32>,
    %swap3A_60 = arith.constant 1 : i32
    %swap3A_61 = arith.index_cast %swap3A_60 : i32 to index
    %swap3A_62 = arith.constant 0 : index
    %swap3A_63 = tpu.vector_load %arg17[%swap3A_61, %swap3A_62] {strides = array<i32>} : memref<2x16xf32, #tpu.memory_space<vmem>>, vector<16xf32>,
    tpu.vector_store %arg17[%swap3A_61, %swap3A_62], %scan3A_55#1 {strides = array<i32>} : memref<2x16xf32, #tpu.memory_space<vmem>>, vector<16xf32>,
    "tpu.region"() ({
      %run_scoped3A = tpu.sem_alloc : memref<!tpu.dma_semaphore, #tpu.memory_space<semaphore_mem>>
      %dma_start3A_64 = arith.constant 0 : i32
      %dma_start3A_65 = arith.constant 0 : i32
      %dma_start3A_66 = tpu.memref_slice %arg6[%add3A, %dma_start3A_64, %dma_start3A_65] : memref<32x2x16xf32, #tpu.memory_space<hbm>> -> memref<1x2x16xf32, #tpu.memory_space<hbm>>
      %dma_start3A_67 = tpu.memref_squeeze %dma_start3A_66 : memref<1x2x16xf32, #tpu.memory_space<hbm>> -> memref<2x16xf32, #tpu.memory_space<hbm>>
      %dma_start3A_68 = arith.constant 0 : i32
      %dma_start3A_69 = arith.constant 0 : i32
      %dma_start3A_70 = tpu.memref_slice %arg6[%add3A, %dma_start3A_68, %dma_start3A_69] : memref<32x2x16xf32, #tpu.memory_space<hbm>> -> memref<1x2x16xf32, #tpu.memory_space<hbm>>
      %dma_start3A_71 = tpu.memref_squeeze %dma_start3A_70 : memref<1x2x16xf32, #tpu.memory_space<hbm>> -> memref<2x16xf32, #tpu.memory_space<hbm>>
      tpu.enqueue_dma source(%arg17 : memref<2x16xf32, #tpu.memory_space<vmem>>) target(%dma_start3A_71 : memref<2x16xf32, #tpu.memory_space<hbm>>) target_semaphore(%run_scoped3A : memref<!tpu.dma_semaphore, #tpu.memory_space<semaphore_mem>>)
      %dma_wait3A_72 = arith.constant 0 : i32
      %dma_wait3A_73 = arith.constant 0 : i32
      %dma_wait3A_74 = tpu.memref_slice %arg6[%add3A, %dma_wait3A_72, %dma_wait3A_73] : memref<32x2x16xf32, #tpu.memory_space<hbm>> -> memref<1x2x16xf32, #tpu.memory_space<hbm>>
      %dma_wait3A_75 = tpu.memref_squeeze %dma_wait3A_74 : memref<1x2x16xf32, #tpu.memory_space<hbm>> -> memref<2x16xf32, #tpu.memory_space<hbm>>
      %dma_wait3A_76 = arith.constant 0 : i32
      %dma_wait3A_77 = arith.constant 0 : i32
      %dma_wait3A_78 = tpu.memref_slice %arg6[%add3A, %dma_wait3A_76, %dma_wait3A_77] : memref<32x2x16xf32, #tpu.memory_space<hbm>> -> memref<1x2x16xf32, #tpu.memory_space<hbm>>
      %dma_wait3A_79 = tpu.memref_squeeze %dma_wait3A_78 : memref<1x2x16xf32, #tpu.memory_space<hbm>> -> memref<2x16xf32, #tpu.memory_space<hbm>>
      tpu.wait_dma2 semaphore(%run_scoped3A : memref<!tpu.dma_semaphore, #tpu.memory_space<semaphore_mem>>) src(%arg17 : memref<2x16xf32, #tpu.memory_space<vmem>>) dst(%dma_wait3A_79 : memref<2x16xf32, #tpu.memory_space<hbm>>)
      tpu.yield
    }) : () -> ()
    return
  }
}

</mosaic_0001>

<sc_bundles>
// kernel: kernel.3.cloned.1.call-start
scs
__scs_entry_jumppad:
0x0: {  	(pc) =	sbr.rel $0x88, $3  }
0x1: {  	(tag) =	ssettag $0x0;
	lr =	simm.s32 $0x1  }
0x2: {  	[smem:$0x3F9A] =	sst lr;
	_ =	strace $0xD0000000  }
0x3: {  	_ = 	snop  }
0x4: {  	_ = 	snop  }
0x5: {  	_ = 	snop  }
0x6: {  	_ = 	snop  }
0x7: {  	_ = 	snop  }
__scs_overlays_trampoline_lowered:
0x8: {  	[smem:$0x3FA9] =	sst s0  }
0x9: {  	[smem:$0x3FAA] =	sst s1  }
0xa: {  	[smem:$0x3FAB] =	sst s2  }
0xb: {  	[smem:$0x3FAC] =	sst s3  }
0xc: {  	[smem:$0x3FAD] =	sst s4  }
0xd: {  	[smem:$0x3FAE] =	sst s5  }
0xe: {  	[smem:$0x3FAF] =	sst s6  }
0xf: {  	[smem:$0x3FB0] =	sst s7  }
0x10: {  	[smem:$0x3FB1] =	sst s8  }
0x11: {  	[smem:$0x3FB2] =	sst s9;
	s0 =	simm.s32 @!p0 $0x0  }
0x12: {  	s1 =	sld [smem:$0x3F98];
	s0 =	simm.s32 @p0 $0x1  }
0x13: {  	[smem:$0x3FB3] =	sst s0;
	s0 =	simm.s32 @!p1 $0x0  }
0x14: {  	s2 =	sld [smem:$0x3F97];
	s0 =	simm.s32 @p1 $0x1  }
0x15: {  	[smem:$0x3FB4] =	sst s0;
	s0 =	simm.s32 @!p2 $0x0  }
0x16: {  	s3 =	sld [smem:$0x3FDB];
	s0 =	simm.s32 @p2 $0x1  }
0x17: {  	s4 =	simm.s32 $0x1BF5;
	[smem:$0x3FB6] =	sst s0  }
0x18: {  	s0 =	sld [smem:$0x3F99];
	_ =	swait.ge [sflag:s4], $0x0  }
0x19: {  	s7 =	sld [smem:$0x3F9A]  }
0x1a: {  	s8 =	sadd.s32 $0xFFFFE003, lr  }
0x1b: {  	s9 =	sadd.s32 $0xFFFFFEF7, lr;
	s5 =	simm.s32 $0xFFFFFFFF;
	p2 =	slt.u32 s8, $0xFFFFF086  }
0x1c: {  	p1 =	slt.u32 s9, $0xF7A;
	s5 =	simm.s32 @!p2 $0x0  }
0x1d: {  	s5 =	simm.s32 @p1 $0x1;
	p0 =	seq.s32 s7, s2  }
0x1e: {  	s7 =	smul.u32 @!p0 $0xF7A, s2;
	p2 =	seq.s32 @!p0 s5, $0x0  }
0x1f: {  	s9 =	smul.u32 $0xF7A, s1;
	s8 =	simm.s32 @!p0 $0x1BF5;
	p2 =	por !p2, p0  }
0x20: {  	[sflag:s8] =	ssyncset.s32 @!p0 $0xFFFFF086;
	s6 =	sadd.s32 @!p0 s3, s7;
	s7 =	simm.s32 @!p0 $0x108  }
0x21: {  	s3 =	sadd.s32 s3, s9;
	s6 =	sadd.s32 @!p0 $0x88, s6;
	s7 =	simm.s32 @p2 $0x1082  }
0x22: {  	[simem:s7], [sflag:s8] =	dma.local @!p0 [hbm:s6], $0xF7A  }
0x23: {  	s9 =	sor.u32 $0xD0000000, s2;
	s6 =	simm.s32 $0x108;
	_ =	swait.ge @!p0 [sflag:s8], $0x0  }
0x24: {  	s3 =	sadd.s32 $0x88, s3;
	s6 =	simm.s32 @!p1 $0x1082;
	[sflag:s4] =	ssyncset.s32 $0xFFFFF086  }
0x25: {  	[simem:s6], [sflag:s4] =	dma.local [hbm:s3], $0xF7A  }
0x26: {  	[smem:$0x3F9A] =	sst s1;
	(tag) =	ssettag s2;
	_ =	strace s9  }
0x27: {  	s1 =	sld [smem:$0x3FAA]  }
0x28: {  	s2 =	sld [smem:$0x3FAB]  }
0x29: {  	s4 =	sld [smem:$0x3FAD]  }
0x2a: {  	p0 =	seq.s32 s5, $0x0;
	s5 =	sld [smem:$0x3FAE]  }
0x2b: {  	s6 =	sld [smem:$0x3FAF]  }
0x2c: {  	s7 =	sld [smem:$0x3FB0]  }
0x2d: {  	s3 =	simm.s32 $0x108;
	s8 =	sld [smem:$0x3FB1]  }
0x2e: {  	s3 =	simm.s32 @!p0 $0x1082;
	s9 =	sld [smem:$0x3FB2]  }
0x2f: {  	lr =	sadd.s32 s0, s3;
	s0 =	sld [smem:$0x3FA9]  }
0x30: {  	s3 =	sld [smem:$0x3FAC]  }
0x31: {  	[smem:$0x3FB5] =	sst s10  }
0x32: {  	s10 =	sld [smem:$0x3FB3];
	_ =	sdelay $0x3  }
0x33: {  	p0 =	seq.s32 s10, $0x1;
	s10 =	sld [smem:$0x3FB5];
	_ =	sdelay $0x3  }
0x34: {  	[smem:$0x3FB5] =	sst s10  }
0x35: {  	s10 =	sld [smem:$0x3FB4];
	_ =	sdelay $0x3  }
0x36: {  	p1 =	seq.s32 s10, $0x1;
	s10 =	sld [smem:$0x3FB5];
	_ =	sdelay $0x3  }
0x37: {  	[smem:$0x3FB5] =	sst s10  }
0x38: {  	s10 =	sld [smem:$0x3FB6]  }
0x39: {  	_ = 	snop;
	(pc) =	sbr.ind lr, $3  }
0x3a: {  	_ = 	snop  }
0x3b: {  	_ = 	snop  }
0x3c: {  	p2 =	seq.s32 s10, $0x1;
	s10 =	sld [smem:$0x3FB5]  }
0x3d: {  	_ =	shalt  }
0x3e: {  	_ =	shalt  }
0x3f: {  	_ =	shalt  }
0x40: {  	_ =	shalt  }
0x41: {  	_ =	shalt  }
0x42: {  	_ =	shalt  }
0x43: {  	_ =	shalt  }
0x44: {  	_ =	shalt  }
0x45: {  	_ =	shalt  }
0x46: {  	_ =	shalt  }
0x47: {  	_ =	shalt  }
0x48: {  	_ =	shalt  }
0x49: {  	_ =	shalt  }
0x4a: {  	_ =	shalt  }
0x4b: {  	_ =	shalt  }
0x4c: {  	_ =	shalt  }
0x4d: {  	_ =	shalt  }
0x4e: {  	_ =	shalt  }
0x4f: {  	_ =	shalt  }
0x50: {  	_ =	shalt  }
0x51: {  	_ =	shalt  }
0x52: {  	_ =	shalt  }
0x53: {  	_ =	shalt  }
0x54: {  	_ =	shalt  }
0x55: {  	_ =	shalt  }
0x56: {  	_ =	shalt  }
0x57: {  	_ =	shalt  }
0x58: {  	_ =	shalt  }
0x59: {  	_ =	shalt  }
0x5a: {  	_ =	shalt  }
0x5b: {  	_ =	shalt  }
0x5c: {  	_ =	shalt  }
0x5d: {  	_ =	shalt  }
0x5e: {  	_ =	shalt  }
0x5f: {  	_ =	shalt  }
0x60: {  	_ =	shalt  }
0x61: {  	_ =	shalt  }
0x62: {  	_ =	shalt  }
0x63: {  	_ =	shalt  }
0x64: {  	_ =	shalt  }
0x65: {  	_ =	shalt  }
0x66: {  	_ =	shalt  }
0x67: {  	_ =	shalt  }
0x68: {  	_ =	shalt  }
0x69: {  	_ =	shalt  }
0x6a: {  	_ =	shalt  }
0x6b: {  	_ =	shalt  }
0x6c: {  	_ =	shalt  }
0x6d: {  	_ =	shalt  }
0x6e: {  	_ =	shalt  }
0x6f: {  	_ =	shalt  }
0x70: {  	_ =	shalt  }
0x71: {  	_ =	shalt  }
0x72: {  	_ =	shalt  }
0x73: {  	_ =	shalt  }
0x74: {  	_ =	shalt  }
0x75: {  	_ =	shalt  }
0x76: {  	_ =	shalt  }
0x77: {  	_ =	shalt  }
0x78: {  	_ =	shalt  }
0x79: {  	_ =	shalt  }
0x7a: {  	_ =	shalt  }
0x7b: {  	_ =	shalt  }
0x7c: {  	_ =	shalt  }
0x7d: {  	_ =	shalt  }
0x7e: {  	_ =	shalt  }
0x7f: {  	_ =	shalt  }
0x80: {  	_ =	shalt  }
0x81: {  	_ =	shalt  }
0x82: {  	_ =	shalt  }
0x83: {  	_ =	shalt  }
0x84: {  	_ =	shalt  }
0x85: {  	_ =	shalt  }
0x86: {  	_ =	shalt  }
0x87: {  	_ =	shalt  }
.Lfunc_end0:
.L_simem_size_0:
called_computation_lowered:
.L_overlay_start_0:
0x88: {  	s2 =	sld [smem:$0x3FD9]  }
0x89: {  	s3 =	sld [smem:$0x3FFE];
	_ =	sdelay $0x1  }
0x8a: {  	s1 =	srdreg.scid  }
0x8b: {  	s0 =	sand.u32 $0x1, s1  }
0x8c: {  	s17 =	sshll.u32 s0, $0xA;
	s2 =	sadd.s32 s3, s2  }
0x8d: {  	s2 =	sadd.s32 s2, s17  }
0x8e: {  	[smem:$0x3FC1] =	sst s2  }
0x8f: {  	_ = 	snop  }
0x90: {  	s2 =	sld [smem:$0x3FC7]  }
0x91: {  	s18 =	sld [smem:$0x3FC6];
	(tm) =	ssettm $0x1  }
0x92: {  	s4 =	sld [smem:$0x3FFB];
	_ =	sdelay $0x3  }
0x93: {  	_ =	strace s4  }
0x94: {  	s4 =	sld [smem:$0x3FFC];
	_ =	sdelay $0x3  }
0x95: {  	_ =	strace s4  }
0x96: {  	s4 =	sld [smem:$0x3FFD];
	_ =	sdelay $0x3  }
0x97: {  	_ =	strace s4  }
0x98: {  	_ =	strace $0x8FFFFFFF  }
0x99: {  	s19 =	sld [smem:$0x3FDB];
	_ =	sdelay $0x1  }
0x9a: {  	s5 =	simm.s32 $_scs_section_size  }
0x9b: {  	s6 =	simm.s32 $_size__tile_overlayer_lowered;
	s7 =	simm.s32 $_tile_overlayer_lowered  }
0x9c: {  	s22 =	simm.s32 $0x1BFF;
	s21 =	sshll.u32 s7, $0x1;
	s4 =	sadd.s32 s5, s19  }
0x9d: {  	s8 =	simm.s32 $0x0;
	s20 =	sshll.u32 s6, $0x1;
	s6 =	sadd.s32 s21, s4  }
0x9e: {  	[timem:s8], [sflag:s22] =	dma.local [hbm:s6], s20  }
0x9f: {  	_ =	swait.ge [sflag:s22], s20  }
0xa0: {  	s5 =	ssub.s32 $0x0, s20;
	[sflag:s22] =	ssyncset.done $0x0  }
0xa1: {  	[sflag:s22] =	ssyncadd.s32 s5;
	_ =	sdelay $0x1  }
0xa2: {  	s23 =	simm.s32 $0x1B8B  }
0xa3: {  	_ =	swait.ge [sflag:s23], $0x1  }
0xa4: {  	[sflag:s23] =	ssyncset.done $0x0  }
0xa5: {  	s25 =	simm.s32 $0x1B8E;
	s24 =	sld [smem:$0x3FFE];
	[sflag:s23] =	ssyncadd.s32 $0xFFFFFFFF  }
0xa6: {  	s26 =	simm.s32 $execute0_lowered;
	[smem:$0x3FD2] =	sst s25  }
0xa7: {  	s6 =	sshll.u32 s26, $0x1;
	_ =	strace $0x80000046;
	[dreg:$0x1] =	wrdreg $0xFFFFFFFF  }
0xa8: {  	s28 =	simm.s32 $_size_execute0_lowered;
	s4 =	sadd.s32 s4, s6;
	[dreg:$0x0] =	wrdreg $0x0  }
0xa9: {  	s6 =	sshll.u32 s28, $0x1;
	[dreg:$0x2] =	wrdreg s4  }
0xaa: {  	[dreg:$0x3] =	wrdreg s6  }
0xab: {  	[dreg:$0x4] =	wrdreg $0xC0  }
0xac: {  	_ =	task [dreg:s8], $0x5FFFF  }
0xad: {  	[dreg:$0x1] =	wrdreg $0xFFFFFFFF  }
0xae: {  	[dreg:$0x0] =	wrdreg $0x60  }
0xaf: {  	[dreg:$0x2] =	wrdreg s24  }
0xb0: {  	[dreg:$0x3] =	wrdreg s2  }
0xb1: {  	[dreg:$0x4] =	wrdreg s18  }
0xb2: {  	[dreg:$0x5] =	wrdreg $0x129000  }
0xb3: {  	[dreg:$0x6] =	wrdreg $0x9  }
0xb4: {  	_ =	task.clear_ibuf [dreg:s8], $0x7FFFF;
	_ =	strace $0x90000046  }
0xb5: {  	s29 =	simm.s32 $0x9;
	_ =	strace $0x80000048  }
0xb6: {  	_ =	swait.ge [sflag:s29], $0x1  }
0xb7: {  	[sflag:s29] =	ssyncadd.s32 $0xFFFFFFFF  }
0xb8: {  	_ =	strace $0x90000048  }
0xb9: {  	_ =	sfence  }
0xba: {  	s30 =	sld [smem:$0x0];
	_ =	sdelay $0x2  }
0xbb: {  	s31 =	sshll.u32 s1, $0xD;
	s1 =	sshrl.u32 s1, $0x2  }
0xbc: {  	s3 =	sand.u32 $0x4000, s31;
	s1 =	sadd.s32 s1, s30  }
0xbd: {  	s0 =	sor.u32 s3, s0;
	s1 =	sshll.u32 s1, $0x11  }
0xbe: {  	s0 =	sor.u32 s1, s0  }
0xbf: {  	s0 =	sadd.s32 $0x8F2B, s0  }
0xc0: {  	[sflag:s0] =	ssyncadd.remote.s32 $0x1  }
0xc1: {  	_ =	sfence.sel $0xFFFF  }
0xc2: {  	[dreg:$0x0] =	wrdreg $0xFFFFFFFF;
	(pc) =	sbr.abs _section_cstart, $3  }
0xc3: {  	[dreg:$0x1] =	wrdreg $0xFFFFFFFF  }
0xc4: {  	_ =	task.clear_ibuf [dreg:s8], $0x2FFFF;
	_ =	strace $0x9FFFFFFF  }
0xc5: {  	(tm) =	ssettm $0x7FFFFFFF  }
tec
execute0_lowered:
.L_overlay_start_1:
0x0: {  	(tag) =	ssettag $0x1  }
0x1: {  	s0 =	rddreg [dreg:$0x0]  }
0x2: {  	s2 =	rddreg [dreg:$0x1]  }
0x3: {  	s3 =	rddreg [dreg:$0x2]  }
0x4: {  	s4 =	rddreg [dreg:$0x3]  }
0x5: {  	s11 =	stileid.u32;
	s5 =	simm.s32 $0x0;
	s6 =	srdreg.scid  }
0x6: {  	s28 =	simm.s32 $0x2EE0;
	s29 =	simm.s32 $0xABE0;
	s30 =	simm.s32 $0x2  }
0x7: {  	s31 =	simm.s32 $0x6D60;
	s1 =	smul.u32 $0xC350, s11;
	[smem:$0x7FF] =	sst s5  }
0x8: {  	s8 =	sand.u32 $0x1, s6;
	s16 =	sshll.u32 s11, $0x1;
	s6 =	sadd.s32 $0xC00, s0  }
0x9: {  	s18 =	sshll.u32 s11, $0x6;
	_ =	strace $0x80000047;
	s9 =	sor.u32 s8, s16  }
0xa: {  	s8 =	ssub.s32 $0x2, s8;
	s19 =	sor.u32 $0x1C09, s18;
	s7 =	sshrl.u32 s1, $0x3  }
0xb: {  	s10 =	sshll.u32 s9, $0x2;
	s17 =	sshrl.u32 s8, $0x1;
	s9 =	smul.u32 $0x30D40, s9  }
0xc: {  	s1 =	sadd.s32 s1, s4;
	[dreg:$0x6] =	wrdreg s19;
	s7 =	sadd.s32 s7, s0  }
0xd: {  	s0 =	sadd.s32 s10, s0;
	s8 =	ssub.s32 s8, s17;
	s19 =	sshrl.u32 s1, $0x3  }
0xe: {  	s1 =	simm.s32 $0x5;
	s7 =	sadd.s32 $0x187600, s7;
	s20 =	sshrl.u32 s9, $0x3  }
0xf: {  	s15 =	sadd.s32 $0xFA0, s9;
	s16 =	sadd.s32 $0x1770, s9;
	s0 =	sadd.s32 $0xC4200, s0  }
0x10: {  	s18 =	smax.u32 s8, $0x1;
	s8 =	simm.s32 $0x0;
	[dreg:$0x5] =	wrdreg s7  }
0x11: {  	s21 =	sadd.s32 s2, s20;
	s22 =	sadd.s32 s3, s20;
	[dreg:$0xd] =	wrdreg s0  }
0x12: {  	s23 =	sadd.s32 $0xFA, s20;
	s7 =	sadd.s32 s6, s20;
	[dreg:$0x7] =	wrdreg s21  }
0x13: {  	s20 =	simm.s32 $0x9;
	s0 =	simm.s32 $0xEA60;
	[dreg:$0x8] =	wrdreg s22  }
.Ltmp0:
0x14: {  	s24 =	sadd.s32 s2, s23;
	[dreg:$0xb] =	wrdreg s7;
	(pc) =	sbr.rel .LBB2_1-.Ltmp0, $4  }
0x15: {  	s25 =	sadd.s32 s3, s23;
	s26 =	sadd.s32 s6, s23;
	[dreg:$0x9] =	wrdreg s24  }
0x16: {  	s22 =	simm.s32 $0x7D0;
	s23 =	simm.s32 $0x1770;
	[dreg:$0xa] =	wrdreg s25  }
0x17: {  	v0 =	vlaneseq.u32;
	s21 =	simm.s32 $0x3;
	s7 =	simm.s32 $0x4;
	[dreg:$0xc] =	wrdreg s26  }
0x18: {  	v0 =	vmul.u32 $0x8, v0;
	s25 =	simm.s32 $0x2710;
	s26 =	simm.s32 $0x1;
	s24 =	simm.s32 $0x7  }
.LBB2_8:
0x19: {  	s8 =	sadd.s32 $0x1, s8  }
0x1a: {  	[tilespmem:$0x128E0] =	vst v2;
	p0 =	sne.s32 s8, s18  }
.Ltmp1:
0x1b: {  	[tilespmem:$0x128F0] =	vst v1;
	s9 =	rddreg [dreg:$0xd];
	s10 =	simm.s32 $0x128E0;
	(pc) =	sbr.rel @!p0 .LBB2_9-.Ltmp1, $4  }
0x1c: {  	[hbm4b:s9+s5] =	stream.linear.scatter [tilespmem:s10], [sflag:$0x9], $0x20, $0x38;
	[tilespmem:$0x1EC50] =	vst v63  }
0x1d: {  	_ =	swait.ge [sflag:s20], $0x20  }
0x1e: {  	[sflag:s20] =	ssyncset.done $0x0  }
0x1f: {  	[sflag:s20] =	ssyncadd.s32 $0xFFFFFFE0  }
.LBB2_1:
0x20: {  	s9 =	rddreg [dreg:$0x5]  }
0x21: {  	s10 =	rddreg [dreg:$0x6]  }
0x22: {  	[spmem:s19], [sflag:s10] =	dma.local [hbm:s9], $0x186A  }
0x23: {  	_ =	swait.ge [sflag:s20], $0x186A  }
0x24: {  	[sflag:s20] =	ssyncset.done $0x0  }
0x25: {  	[sflag:s20] =	ssyncadd.s32 $0xFFFFE796  }
0x26: {  	[bflag:$0x0] =	sbarrier.arrive $0xFFFF  }
0x27: {  	s10 =	rddreg [dreg:$0x7]  }
0x28: {  	[tilespmem:s5], [sflag:$0x1] =	stream.linear.gather [hbm4b:s10+s5], $0x7D0, $0x38;
	[tilespmem:$0x1EC50] =	vst v63  }
0x29: {  	s11 =	rddreg [dreg:$0x8];
	s10 =	simm.s32 $0xFA0  }
0x2a: {  	[tilespmem:s10], [sflag:$0x1] =	stream.linear.gather [hbm4b:s11+s5], $0x7D0, $0x38;
	[tilespmem:$0x1EC50] =	vst v63  }
0x2b: {  	s12 =	rddreg [dreg:$0x9]  }
0x2c: {  	[tilespmem:s22], [sflag:$0x2] =	stream.linear.gather [hbm4b:s12+s5], $0x7D0, $0x38;
	[tilespmem:$0x1EC50] =	vst v63  }
0x2d: {  	s13 =	rddreg [dreg:$0xa]  }
0x2e: {  	[tilespmem:s23], [sflag:$0x2] =	stream.linear.gather [hbm4b:s13+s5], $0x7D0, $0x38;
	[tilespmem:$0x1EC50] =	vst v63  }
0x2f: {  	s14 =	rddreg [dreg:$0xb];
	s11 =	simm.s32 $0x1F40  }
0x30: {  	[tilespmem:s11], [sflag:$0x3] =	stream.linear.gather [hbm4b:s14+s5], $0x7D0, $0x38;
	[tilespmem:$0x1EC50] =	vst v63  }
0x31: {  	s17 =	rddreg [dreg:$0xc]  }
0x32: {  	[tilespmem:s25], [sflag:$0x4] =	stream.linear.gather [hbm4b:s17+s5], $0x7D0, $0x38;
	[tilespmem:$0x1EC50] =	vst v63  }
0x33: {  	_ =	swait.ge [sflag:s26], $0x7D0  }
0x34: {  	[sflag:s26] =	ssyncset.done $0x0  }
0x35: {  	[sflag:s26] =	ssyncadd.s32 $0xFFFFF830  }
0x36: {  	_ =	swait.ge [sflag:s26], $0x7D0  }
0x37: {  	[sflag:s26] =	ssyncset.done $0x0  }
0x38: {  	[sflag:s26] =	ssyncadd.s32 $0xFFFFF830  }
0x39: {  	[tilespmem:s28], [sflag:$0x5] =	stream.indirect.gather [spmem:s4], $0x8, s5, s22, $0xb8;
	[tilespmem:$0x1EC50] =	vst v63  }
0x3a: {  	s9 =	simm.s32 $0x0  }
0x3b: {  	v1 =	vimm.f32 $0.0e+00;
	v2 =	vimm.f32 $0.0e+00;
	[tilespmem:s29], [sflag:$0x7] =	stream.indirect.gather [spmem:s4], $0x8, s10, s22, $0xb8;
	[tilespmem:$0x1EC50] =	vst v63  }
.LBB2_2:
0x3c: {  	_ =	swait.ge [sflag:s30], $0x7D0  }
0x3d: {  	[sflag:s30] =	ssyncset.done $0x0  }
0x3e: {  	[sflag:s30] =	ssyncadd.s32 $0xFFFFF830  }
0x3f: {  	_ =	swait.ge [sflag:s30], $0x7D0  }
0x40: {  	[sflag:s30] =	ssyncset.done $0x0  }
0x41: {  	[sflag:s30] =	ssyncadd.s32 $0xFFFFF830  }
0x42: {  	[tilespmem:s31], [sflag:$0x6] =	stream.indirect.gather [spmem:s4], $0x8, s22, s22, $0xb8;
	[tilespmem:$0x1EC50] =	vst v63  }
0x43: {  	_ = 	snop  }
0x44: {  	[tilespmem:s0], [sflag:$0x8] =	stream.indirect.gather [spmem:s4], $0x8, s23, s22, $0xb8;
	[tilespmem:$0x1EC50] =	vst v63  }
0x45: {  	p0 =	seq.s32 s9, $0x31;
	_ =	swait.ge [sflag:s1], $0x3E80  }
0x46: {  	s10 =	smul.u32 @!p0 $0xFA0, s9;
	[sflag:s1] =	ssyncset.done $0x0  }
0x47: {  	[sflag:s1] =	ssyncadd.s32 $0xFFFFC180  }
0x48: {  	s14 =	simm.s32 $0x0;
	s11 =	sadd.s32 @!p0 s10, s15;
	_ =	swait.ge [sflag:s24], $0x3E80  }
0x49: {  	s17 =	simm.s32 $0x40;
	s11 =	sshrl.u32 @!p0 s11, $0x3;
	[sflag:s24] =	ssyncset.done $0x0  }
0x4a: {  	s13 =	simm.s32 @!p0 $0x0;
	v3 =	vmov s14;
	s12 =	sadd.s32 @!p0 s2, s11;
	[sflag:s24] =	ssyncadd.s32 $0xFFFFC180  }
0x4b: {  	v3 =	vshll.u32 v3, $0x3;
	[tilespmem:s13], [sflag:$0x1] =	stream.linear.gather @!p0 [hbm4b:s12+s13], $0x7D0, $0x38;
	[tilespmem:$0x1EC50] =	vst v63  }
0x4c: {  	s14 =	simm.s32 @!p0 $0xFA0;
	v4 =	vor.u32 v0, v3;
	v3 =	vmov s17;
	s12 =	sadd.s32 @!p0 s3, s11  }
0x4d: {  	v3 =	vshll.u32 v3, $0x3;
	[tilespmem:s14], [sflag:$0x1] =	stream.linear.gather @!p0 [hbm4b:s12+s13], $0x7D0, $0x38;
	[tilespmem:$0x1EC50] =	vst v63  }
0x4e: {  	v6 =	vor.u32 v0, v3;
	_ =	swait.ge [sflag:s21], $0x7D0  }
0x4f: {  	s13 =	simm.s32 $0x30;
	[sflag:s21] =	ssyncset.done $0x0  }
0x50: {  	v11 =	vor.u32 $0x2, v4;
	s14 =	simm.s32 $0x20;
	v5 =	vmov s13;
	[sflag:s21] =	ssyncadd.s32 $0xFFFFF830  }
0x51: {  	v13 =	vor.u32 $0x5, v4;
	v3 =	vshll.u32 v5, $0x3;
	v5 =	vmov s14;
	v8 =	vld.idx.msk [tilespmem:v4+s28+$0x0], $0xffff  }
0x52: {  	v7 =	vor.u32 v0, v3;
	v3 =	vshll.u32 v5, $0x3;
	v5 =	vld.idx.msk [tilespmem:v4+s29+$0x0], $0xffff  }
0x53: {  	v10 =	vld.idx.msk [tilespmem:v6+s28+$0x0], $0xffff  }
0x54: {  	v19 =	vor.u32 $0x1, v4;
	v12 =	vld.idx.msk [tilespmem:v6+s29+$0x0], $0xffff  }
0x55: {  	v21 =	vor.u32 $0x3, v4;
	v18 =	vld.idx.msk [tilespmem:v11+s28+$0x0], $0xffff  }
0x56: {  	v22 =	vor.u32 $0x4, v4;
	v20 =	vld.idx.msk [tilespmem:v13+s28+$0x0], $0xffff  }
0x57: {  	v11 =	vld.idx.msk [tilespmem:v11+s29+$0x0], $0xffff  }
0x58: {  	v13 =	vld.idx.msk [tilespmem:v13+s29+$0x0], $0xffff  }
0x59: {  	v25 =	vld.idx.msk [tilespmem:v19+s28+$0x0], $0xffff  }
0x5a: {  	v27 =	vor.u32 $0x2, v6;
	v26 =	vld.idx.msk [tilespmem:v21+s28+$0x0], $0xffff  }
0x5b: {  	v29 =	vor.u32 $0x5, v6;
	v28 =	vld.idx.msk [tilespmem:v22+s28+$0x0], $0xffff  }
0x5c: {  	v19 =	vld.idx.msk [tilespmem:v19+s29+$0x0], $0xffff  }
0x5d: {  	v21 =	vld.idx.msk [tilespmem:v21+s29+$0x0], $0xffff  }
0x5e: {  	v34 =	vor.u32 $0x1, v6;
	v22 =	vld.idx.msk [tilespmem:v22+s29+$0x0], $0xffff  }
0x5f: {  	v36 =	vor.u32 $0x3, v6;
	v32 =	vld.idx.msk [tilespmem:v27+s28+$0x0], $0xffff  }
0x60: {  	v38 =	vor.u32 $0x4, v6;
	v33 =	vld.idx.msk [tilespmem:v29+s28+$0x0], $0xffff  }
0x61: {  	v27 =	vld.idx.msk [tilespmem:v27+s29+$0x0], $0xffff  }
0x62: {  	v29 =	vld.idx.msk [tilespmem:v29+s29+$0x0], $0xffff  }
0x63: {  	v39 =	vld.idx.msk [tilespmem:v34+s28+$0x0], $0xffff  }
0x64: {  	v41 =	vld.idx.msk [tilespmem:v36+s28+$0x0], $0xffff  }
0x65: {  	v43 =	vld.idx.msk [tilespmem:v38+s28+$0x0], $0xffff  }
0x66: {  	v9 =	vor.u32 v0, v3;
	v34 =	vld.idx.msk [tilespmem:v34+s29+$0x0], $0xffff  }
0x67: {  	v36 =	vld.idx.msk [tilespmem:v36+s29+$0x0], $0xffff  }
0x68: {  	v30 =	vor.u32 $0x2, v7;
	v38 =	vld.idx.msk [tilespmem:v38+s29+$0x0], $0xffff  }
0x69: {  	v31 =	vor.u32 $0x5, v7;
	v14 =	vld.idx.msk [tilespmem:v7+s28+$0x0], $0xffff  }
0x6a: {  	v15 =	vld.idx.msk [tilespmem:v7+s29+$0x0], $0xffff  }
0x6b: {  	v16 =	vld.idx.msk [tilespmem:v9+s28+$0x0], $0xffff  }
0x6c: {  	v44 =	vor.u32 $0x1, v7;
	v17 =	vld.idx.msk [tilespmem:v9+s29+$0x0], $0xffff  }
0x6d: {  	v46 =	vor.u32 $0x3, v7;
	v35 =	vld.idx.msk [tilespmem:v30+s28+$0x0], $0xffff  }
0x6e: {  	v48 =	vor.u32 $0x4, v7;
	v37 =	vld.idx.msk [tilespmem:v31+s28+$0x0], $0xffff  }
0x6f: {  	v30 =	vld.idx.msk [tilespmem:v30+s29+$0x0], $0xffff  }
0x70: {  	v31 =	vld.idx.msk [tilespmem:v31+s29+$0x0], $0xffff  }
0x71: {  	v49 =	vld.idx.msk [tilespmem:v44+s28+$0x0], $0xffff  }
0x72: {  	v40 =	vor.u32 $0x2, v9;
	v51 =	vld.idx.msk [tilespmem:v46+s28+$0x0], $0xffff  }
0x73: {  	v42 =	vor.u32 $0x5, v9;
	v53 =	vld.idx.msk [tilespmem:v48+s28+$0x0], $0xffff  }
0x74: {  	v44 =	vld.idx.msk [tilespmem:v44+s29+$0x0], $0xffff  }
0x75: {  	s17 =	simm.s32 $0x10;
	v46 =	vld.idx.msk [tilespmem:v46+s29+$0x0], $0xffff  }
0x76: {  	v3 =	vmov s17;
	v58 =	vor.u32 $0x4, v9;
	v48 =	vld.idx.msk [tilespmem:v48+s29+$0x0], $0xffff  }
0x77: {  	v3 =	vshll.u32 v3, $0x3;
	v54 =	vor.u32 $0x1, v9;
	v45 =	vld.idx.msk [tilespmem:v40+s28+$0x0], $0xffff  }
0x78: {  	v56 =	vor.u32 $0x3, v9;
	v3 =	vor.u32 v0, v3;
	v47 =	vld.idx.msk [tilespmem:v42+s28+$0x0], $0xffff  }
0x79: {  	v50 =	vor.u32 $0x2, v3;
	v59 =	vsub.f32 v8, v5;
	v10 =	vsub.f32 v10, v12;
	v40 =	vld.idx.msk [tilespmem:v40+s29+$0x0], $0xffff  }
0x7a: {  	v52 =	vor.u32 $0x5, v3;
	v11 =	vsub.f32 v18, v11;
	v13 =	vsub.f32 v20, v13;
	v42 =	vld.idx.msk [tilespmem:v42+s29+$0x0], $0xffff  }
0x7b: {  	v18 =	vsub.f32 v25, v19;
	v19 =	vor.u32 $0x1, v3;
	v21 =	vsub.f32 v26, v21;
	v25 =	vld.idx.msk [tilespmem:v58+s28+$0x0], $0xffff  }
0x7c: {  	v22 =	vsub.f32 v28, v22;
	v26 =	vor.u32 $0x4, v3;
	v28 =	vsub.f32 v33, v29;
	v29 =	vld.idx.msk [tilespmem:v54+s29+$0x0], $0xffff  }
0x7d: {  	v27 =	vsub.f32 v32, v27;
	v5 =	vor.u32 $0x6, v4;
	v23 =	vld.idx.msk [tilespmem:v3+s28+$0x0], $0xffff;
	v61 =	vmul.f32 v59, v59  }
0x7e: {  	v8 =	vor.u32 $0x6, v7;
	v10 =	vmul.f32 v10, v10;
	v11 =	vmul.f32 v11, v11;
	v55 =	vld.idx.msk [tilespmem:v50+s28+$0x0], $0xffff  }
0x7f: {  	v7 =	vsub.f32 v43, v38;
	v18 =	vmul.f32 v18, v18;
	v21 =	vmul.f32 v21, v21;
	v57 =	vld.idx.msk [tilespmem:v52+s28+$0x0], $0xffff  }
0x80: {  	v22 =	vmul.f32 v22, v22;
	v12 =	vld.idx.msk [tilespmem:v50+s29+$0x0], $0xffff;
	v50 =	vsub.f32 v39, v34;
	v14 =	vsub.f32 v14, v15  }
0x81: {  	v13 =	vmul.f32 v13, v13;
	v15 =	vld.idx.msk [tilespmem:v52+s29+$0x0], $0xffff;
	v52 =	vsub.f32 v41, v36;
	v18 =	vadd.f32 v18, v61  }
0x82: {  	v24 =	vld.idx.msk [tilespmem:v3+s29+$0x0], $0xffff;
	v27 =	vmul.f32 v27, v27;
	v21 =	vadd.f32 v22, v21;
	v16 =	vsub.f32 v16, v17  }
0x83: {  	v28 =	vmul.f32 v28, v28;
	v17 =	vld.idx.msk [tilespmem:v54+s28+$0x0], $0xffff;
	v4 =	vsub.f32 v35, v30;
	v30 =	vsub.f32 v37, v31  }
0x84: {  	v7 =	vmul.f32 v7, v7;
	v54 =	vld.idx.msk [tilespmem:v58+s29+$0x0], $0xffff;
	v58 =	vsub.f32 v49, v44;
	v62 =	vsub.f32 v51, v46  }
0x85: {  	v46 =	vmul.f32 v50, v50;
	v35 =	vsub.f32 v45, v40;
	v37 =	vsub.f32 v47, v42  }
0x86: {  	v14 =	vmul.f32 v14, v14;
	v45 =	vsub.f32 v53, v48;
	v11 =	vadd.f32 v11, v18  }
0x87: {  	v31 =	vld.idx.msk [tilespmem:v56+s29+$0x0], $0xffff;
	v47 =	vmul.f32 v52, v52;
	v13 =	vadd.f32 v13, v21;
	v20 =	vsub.f32 v23, v24  }
0x88: {  	v63 =	vld.idx.msk [tilespmem:v26+s28+$0x0], $0xffff;
	v24 =	vor.u32 $0x3, v3;
	v16 =	vmul.f32 v16, v16;
	v4 =	vmul.f32 v4, v4  }
0x89: {  	v26 =	vld.idx.msk [tilespmem:v26+s29+$0x0], $0xffff;
	v48 =	vmul.f32 v58, v58;
	v49 =	vmul.f32 v62, v62;
	v10 =	vadd.f32 v46, v10  }
0x8a: {  	v23 =	vld.idx.msk [tilespmem:v56+s28+$0x0], $0xffff;
	v12 =	vsub.f32 v55, v12;
	v50 =	vmul.f32 v45, v45;
	v7 =	vadd.f32 v7, v47  }
0x8b: {  	v56 =	vld.idx.msk [tilespmem:v19+s28+$0x0], $0xffff;
	v55 =	vmul.f32 v30, v30;
	v58 =	vmul.f32 v37, v37;
	v11 =	vmax.f32 v11, $9.999999930e-09  }
0x8c: {  	v19 =	vld.idx.msk [tilespmem:v19+s29+$0x0], $0xffff;
	v13 =	vmax.f32 v13, $9.999999930e-09;
	v20 =	vmul.f32 v20, v20;
	v15 =	vsub.f32 v57, v15  }
0x8d: {  	v14 =	vadd.f32 v48, v14;
	v57 =	vmul.f32 v35, v35;
	v10 =	vadd.f32 v27, v10  }
0x8e: {  	v61 =	vadd.f32 v13, v11;
	vm1 =	vlt.f32 v11, $1.600000000e+01;
	v17 =	vsub.f32 v17, v29  }
0x8f: {  	v11 =	vmul.f32 v13, v11;
	v25 =	vsub.f32 v25, v54;
	v26 =	vsub.f32 v63, v26;
	v60 =	vld.idx.msk [tilespmem:v24+s28+$0x0], $0xffff  }
0x90: {  	v53 =	vadd.f32 v50, v49;
	v12 =	vmul.f32 v12, v12;
	v7 =	vadd.f32 v28, v7;
	v24 =	vld.idx.msk [tilespmem:v24+s29+$0x0], $0xffff  }
0x91: {  	v4 =	vadd.f32 v4, v14;
	v14 =	vmul.f32 v15, v15;
	v19 =	vsub.f32 v56, v19  }
0x92: {  	v23 =	vsub.f32 v23, v31;
	v17 =	vmul.f32 v17, v17;
	v25 =	vmul.f32 v25, v25  }
0x93: {  	v10 =	vmax.f32 v10, $9.999999930e-09;
	v52 =	vmul.f32 v26, v26;
	v19 =	vmul.f32 v19, v19  }
0x94: {  	v59 =	vadd.f32 v55, v53;
	v23 =	vmul.f32 v23, v23;
	v16 =	vadd.f32 v17, v16  }
0x95: {  	v7 =	vmax.f32 v7, $9.999999930e-09;
	v19 =	vadd.f32 v19, v20;
	v24 =	vsub.f32 v60, v24  }
0x96: {  	v4 =	vmax.f32 v4, $9.999999930e-09;
	v54 =	vadd.f32 v25, v23;
	v15 =	vadd.f32 v57, v16  }
0x97: {  	v60 =	vor.u32 $0x6, v3;
	v3 =	vadd.f32 v12, v19;
	v51 =	vmul.f32 v24, v24  }
0x98: {  	vm2 =	vlt.f32 v10, $1.600000000e+01;
	vm0 =	vlt.f32 v4, $1.600000000e+01;
	v12 =	vadd.f32 v58, v54  }
0x99: {  	v15 =	vmax.f32 v15, $9.999999930e-09;
	v19 =	vmax.f32 v3, $9.999999930e-09;
	v56 =	vadd.f32 v52, v51  }
0x9a: {  	v12 =	vmax.f32 v12, $9.999999930e-09;
	v3 =	vadd.f32 v7, v10;
	v10 =	vmul.f32 v7, v10  }
0x9b: {  	v62 =	vadd.f32 v12, v15;
	v12 =	vmul.f32 v12, v15;
	v14 =	vadd.f32 v14, v56  }
0x9c: {  	v16 =	vmax.f32 v59, $9.999999930e-09;
	v7 =	vmul.f32 $5.000000000e-01, v11;
	v36 =	vshra.s32 v10, $0x1  }
0x9d: {  	v37 =	vmul.f32 $5.000000000e-01, v10;
	v43 =	vshra.s32 v12, $0x1;
	v13 =	vmax.f32 v14, $9.999999930e-09  }
0x9e: {  	v14 =	vadd.f32 v16, v4;
	v16 =	vmul.f32 v16, v4;
	v4 =	vshra.s32 v11, $0x1  }
0x9f: {  	v44 =	vmul.f32 $5.000000000e-01, v12;
	v63 =	vmul.f32 v13, v19;
	v4 =	vsub.s32 $0x5F3759DF, v4  }
0xa0: {  	v22 =	vsub.s32 $0x5F3759DF, v36;
	v29 =	vsub.s32 $0x5F3759DF, v43;
	v40 =	vmul.f32 v4, v7  }
0xa1: {  	v48 =	vmul.f32 v22, v37;
	v41 =	vshra.s32 v63, $0x1;
	v42 =	vmul.f32 $5.000000000e-01, v63  }
0xa2: {  	v46 =	vmul.f32 v29, v44;
	v27 =	vsub.s32 $0x5F3759DF, v41;
	v26 =	vmul.f32 v4, v40  }
0xa3: {  	v34 =	vmul.f32 v22, v48;
	v45 =	vmul.f32 v27, v42  }
0xa4: {  	v38 =	vshra.s32 v16, $0x1;
	v39 =	vmul.f32 $5.000000000e-01, v16;
	v26 =	vsub.f32 $1.500000000e+00, v26  }
0xa5: {  	s12 =	simm.s32 $0x1F60;
	v32 =	vmul.f32 v29, v46;
	v24 =	vsub.s32 $0x5F3759DF, v38;
	v31 =	vmul.f32 v27, v45  }
0xa6: {  	v47 =	vld [tilespmem:s12+$0xFFFFFFE0];
	vm3 =	vlt.f32 v15, $1.600000000e+01;
	v15 =	vmul.f32 v24, v39;
	v26 =	vmul.f32 v4, v26  }
0xa7: {  	v6 =	vor.u32 $0x6, v6;
	v32 =	vsub.f32 $1.500000000e+00, v32;
	v4 =	vsub.f32 $1.500000000e+00, v31  }
0xa8: {  	v50 =	vld [tilespmem:s12+$0x10];
	v52 =	vsub.f32 $1.500000000e+00, v34;
	v15 =	vmul.f32 v24, v15;
	v7 =	vmul.f32 v26, v7  }
0xa9: {  	v9 =	vor.u32 $0x6, v9;
	v29 =	vmul.f32 v29, v32;
	v27 =	vmul.f32 v27, v4  }
0xaa: {  	v22 =	vmul.f32 v22, v52;
	v4 =	vsub.f32 $1.500000000e+00, v15;
	v7 =	vmul.f32 v7, v26  }
0xab: {  	v33 =	vnsel vm1, $0x0, v47;
	v30 =	vmul.f32 v29, v44;
	v15 =	vmul.f32 v27, v42  }
0xac: {  	v23 =	vmul.f32 v22, v37;
	v24 =	vmul.f32 v24, v4;
	v7 =	vsub.f32 $1.500000000e+00, v7  }
0xad: {  	v54 =	vld.idx.msk [tilespmem:v5+s28+$0x0], $0xffff;
	v5 =	vnsel vm0, $0x0, v50;
	v30 =	vmul.f32 v30, v29;
	v15 =	vmul.f32 v15, v27  }
0xae: {  	vm4 =	vlt.f32 v19, $1.600000000e+01;
	v51 =	vld [tilespmem:s12+$0x0];
	v25 =	vmul.f32 v24, v39;
	v55 =	vmul.f32 v7, v26  }
0xaf: {  	v9 =	vld.idx.msk [tilespmem:v9+s28+$0x0], $0xffff;
	v23 =	vmul.f32 v23, v22;
	v56 =	vsub.f32 $1.500000000e+00, v30;
	v15 =	vsub.f32 $1.500000000e+00, v15  }
0xb0: {  	v13 =	vadd.f32 v13, v19;
	v25 =	vmul.f32 v25, v24;
	v11 =	vmul.f32 v55, v11  }
0xb1: {  	v53 =	vld [tilespmem:s12+$0xFFFFFFF0];
	v23 =	vsub.f32 $1.500000000e+00, v23;
	v26 =	vmul.f32 v56, v29;
	v15 =	vmul.f32 v15, v27  }
0xb2: {  	v17 =	vld.idx.msk [tilespmem:v60+s28+$0x0], $0xffff;
	v58 =	vmul.f32 v33, v54;
	v25 =	vsub.f32 $1.500000000e+00, v25;
	v11 =	vadd.f32 v11, v11  }
0xb3: {  	v8 =	vld.idx.msk [tilespmem:v8+s28+$0x0], $0xffff;
	v7 =	vnsel vm3, $0x0, v51;
	v12 =	vmul.f32 v26, v12;
	v15 =	vmul.f32 v15, v63  }
0xb4: {  	v60 =	vmul.f32 v7, v9;
	v59 =	vmul.f32 v25, v24;
	v11 =	vsub.f32 v61, v11  }
0xb5: {  	v9 =	vadd.f32 v12, v12;
	v61 =	vmul.f32 v23, v22;
	v15 =	vadd.f32 v15, v15  }
0xb6: {  	v49 =	vld [tilespmem:s12+$0x20];
	v57 =	vnsel vm4, $0x0, v53;
	v12 =	vmul.f32 v59, v16;
	v11 =	vmul.f32 v11, v58  }
0xb7: {  	v62 =	vsub.f32 v62, v9;
	v13 =	vsub.f32 v13, v15;
	v15 =	vmul.f32 v57, v17  }
0xb8: {  	v9 =	vadd.f32 v12, v12;
	v12 =	vadd.f32 v11, v2;
	v2 =	vmul.f32 v5, v8;
	v8 =	vld.idx.msk [tilespmem:v6+s28+$0x0], $0xffff  }
0xb9: {  	v10 =	vmul.f32 v61, v10  }
0xba: {  	v63 =	vadd.f32 v33, v1;
	v13 =	vmul.f32 v13, v15  }
0xbb: {  	v4 =	vnsel vm2, $0x0, v49;
	v11 =	vadd.f32 v10, v10;
	v1 =	vsub.f32 v14, v9  }
0xbc: {  	s13 =	simm.s32 $0x0;
	s14 =	simm.s32 $0x50;
	v9 =	vadd.f32 v57, v63;
	v10 =	vadd.f32 v13, v12;
	v12 =	vmul.f32 v62, v60  }
.LBB2_3:
0xbd: {  	v6 =	vmov s14;
	v3 =	vsub.f32 v3, v11;
	v8 =	vmul.f32 v4, v8  }
0xbe: {  	v1 =	vmul.f32 v1, v2;
	v10 =	vadd.f32 v12, v10;
	v7 =	vadd.f32 v7, v9  }
0xbf: {  	v2 =	vshll.u32 v6, $0x3  }
0xc0: {  	s17 =	sadd.s32 $0x40, s14;
	v3 =	vmul.f32 v3, v8;
	v1 =	vadd.f32 v1, v10;
	v6 =	vadd.f32 v5, v7  }
0xc1: {  	v5 =	vor.u32 v0, v2;
	v2 =	vmov s17  }
0xc2: {  	s17 =	sadd.s32 $0x30, s14;
	v7 =	vshll.u32 v2, $0x3;
	v1 =	vadd.f32 v3, v1;
	v2 =	vadd.f32 v4, v6  }
0xc3: {  	v3 =	vmov s17;
	v6 =	vor.u32 v0, v7  }
0xc4: {  	s17 =	sadd.s32 $0x20, s14;
	v3 =	vshll.u32 v3, $0x3  }
0xc5: {  	v7 =	vmov s17;
	v4 =	vor.u32 v0, v3  }
0xc6: {  	v3 =	vshll.u32 v7, $0x3;
	v8 =	vld.idx.msk [tilespmem:v5+s28+$0x0], $0xffff  }
0xc7: {  	v7 =	vor.u32 v0, v3;
	v9 =	vld.idx.msk [tilespmem:v5+s29+$0x0], $0xffff  }
0xc8: {  	v10 =	vld.idx.msk [tilespmem:v6+s28+$0x0], $0xffff  }
0xc9: {  	v11 =	vor.u32 $0x2, v5;
	v12 =	vld.idx.msk [tilespmem:v6+s29+$0x0], $0xffff  }
0xca: {  	v13 =	vor.u32 $0x5, v5;
	s17 =	sadd.s32 $0x10, s14;
	v14 =	vld.idx.msk [tilespmem:v4+s28+$0x0], $0xffff  }
0xcb: {  	v3 =	vmov s17;
	v15 =	vld.idx.msk [tilespmem:v4+s29+$0x0], $0xffff  }
0xcc: {  	v3 =	vshll.u32 v3, $0x3;
	v16 =	vld.idx.msk [tilespmem:v7+s28+$0x0], $0xffff  }
0xcd: {  	v3 =	vor.u32 v0, v3;
	v17 =	vld.idx.msk [tilespmem:v7+s29+$0x0], $0xffff  }
0xce: {  	v18 =	vld.idx.msk [tilespmem:v11+s28+$0x0], $0xffff  }
0xcf: {  	v19 =	vor.u32 $0x1, v5;
	v20 =	vld.idx.msk [tilespmem:v13+s28+$0x0], $0xffff  }
0xd0: {  	v21 =	vor.u32 $0x3, v5;
	v11 =	vld.idx.msk [tilespmem:v11+s29+$0x0], $0xffff  }
0xd1: {  	v22 =	vor.u32 $0x4, v5;
	v13 =	vld.idx.msk [tilespmem:v13+s29+$0x0], $0xffff  }
0xd2: {  	v23 =	vld.idx.msk [tilespmem:v3+s28+$0x0], $0xffff  }
0xd3: {  	v24 =	vld.idx.msk [tilespmem:v3+s29+$0x0], $0xffff  }
0xd4: {  	v25 =	vld.idx.msk [tilespmem:v19+s28+$0x0], $0xffff  }
0xd5: {  	v27 =	vor.u32 $0x2, v6;
	v26 =	vld.idx.msk [tilespmem:v21+s28+$0x0], $0xffff  }
0xd6: {  	v29 =	vor.u32 $0x5, v6;
	v28 =	vld.idx.msk [tilespmem:v22+s28+$0x0], $0xffff  }
0xd7: {  	v19 =	vld.idx.msk [tilespmem:v19+s29+$0x0], $0xffff  }
0xd8: {  	v21 =	vld.idx.msk [tilespmem:v21+s29+$0x0], $0xffff  }
0xd9: {  	v30 =	vor.u32 $0x2, v4;
	v22 =	vld.idx.msk [tilespmem:v22+s29+$0x0], $0xffff  }
0xda: {  	v31 =	vor.u32 $0x5, v4;
	v32 =	vld.idx.msk [tilespmem:v27+s28+$0x0], $0xffff  }
0xdb: {  	v33 =	vld.idx.msk [tilespmem:v29+s28+$0x0], $0xffff  }
0xdc: {  	v27 =	vld.idx.msk [tilespmem:v27+s29+$0x0], $0xffff  }
0xdd: {  	v34 =	vor.u32 $0x1, v6;
	v29 =	vld.idx.msk [tilespmem:v29+s29+$0x0], $0xffff  }
0xde: {  	v36 =	vor.u32 $0x3, v6;
	v35 =	vld.idx.msk [tilespmem:v30+s28+$0x0], $0xffff  }
0xdf: {  	v38 =	vor.u32 $0x4, v6;
	v37 =	vld.idx.msk [tilespmem:v31+s28+$0x0], $0xffff  }
0xe0: {  	v30 =	vld.idx.msk [tilespmem:v30+s29+$0x0], $0xffff  }
0xe1: {  	v31 =	vld.idx.msk [tilespmem:v31+s29+$0x0], $0xffff  }
0xe2: {  	v39 =	vld.idx.msk [tilespmem:v34+s28+$0x0], $0xffff  }
0xe3: {  	v40 =	vor.u32 $0x2, v7;
	v41 =	vld.idx.msk [tilespmem:v36+s28+$0x0], $0xffff  }
0xe4: {  	v42 =	vor.u32 $0x5, v7;
	v43 =	vld.idx.msk [tilespmem:v38+s28+$0x0], $0xffff  }
0xe5: {  	v34 =	vld.idx.msk [tilespmem:v34+s29+$0x0], $0xffff  }
0xe6: {  	v36 =	vld.idx.msk [tilespmem:v36+s29+$0x0], $0xffff  }
0xe7: {  	v44 =	vor.u32 $0x1, v4;
	v38 =	vld.idx.msk [tilespmem:v38+s29+$0x0], $0xffff  }
0xe8: {  	v46 =	vor.u32 $0x3, v4;
	v45 =	vld.idx.msk [tilespmem:v40+s28+$0x0], $0xffff  }
0xe9: {  	v48 =	vor.u32 $0x4, v4;
	v47 =	vld.idx.msk [tilespmem:v42+s28+$0x0], $0xffff  }
0xea: {  	v40 =	vld.idx.msk [tilespmem:v40+s29+$0x0], $0xffff  }
0xeb: {  	v42 =	vld.idx.msk [tilespmem:v42+s29+$0x0], $0xffff  }
0xec: {  	v49 =	vld.idx.msk [tilespmem:v44+s28+$0x0], $0xffff  }
0xed: {  	v50 =	vor.u32 $0x2, v3;
	v51 =	vld.idx.msk [tilespmem:v46+s28+$0x0], $0xffff  }
0xee: {  	v52 =	vor.u32 $0x5, v3;
	v53 =	vld.idx.msk [tilespmem:v48+s28+$0x0], $0xffff  }
0xef: {  	v44 =	vld.idx.msk [tilespmem:v44+s29+$0x0], $0xffff  }
0xf0: {  	v46 =	vld.idx.msk [tilespmem:v46+s29+$0x0], $0xffff  }
0xf1: {  	v54 =	vor.u32 $0x1, v7;
	v48 =	vld.idx.msk [tilespmem:v48+s29+$0x0], $0xffff  }
0xf2: {  	v56 =	vor.u32 $0x3, v7;
	v55 =	vld.idx.msk [tilespmem:v50+s28+$0x0], $0xffff  }
0xf3: {  	v58 =	vor.u32 $0x4, v7;
	v57 =	vld.idx.msk [tilespmem:v52+s28+$0x0], $0xffff  }
0xf4: {  	v9 =	vsub.f32 v8, v9;
	v10 =	vsub.f32 v10, v12;
	v50 =	vld.idx.msk [tilespmem:v50+s29+$0x0], $0xffff  }
0xf5: {  	v14 =	vsub.f32 v14, v15;
	v16 =	vsub.f32 v16, v17;
	v12 =	vld.idx.msk [tilespmem:v52+s29+$0x0], $0xffff  }
0xf6: {  	v11 =	vsub.f32 v18, v11;
	v13 =	vsub.f32 v20, v13;
	v15 =	vld.idx.msk [tilespmem:v54+s28+$0x0], $0xffff  }
0xf7: {  	v18 =	vor.u32 $0x1, v3;
	v17 =	vsub.f32 v25, v19;
	v19 =	vsub.f32 v23, v24;
	v20 =	vld.idx.msk [tilespmem:v56+s28+$0x0], $0xffff  }
0xf8: {  	v23 =	vor.u32 $0x3, v3;
	v21 =	vsub.f32 v26, v21;
	v22 =	vsub.f32 v28, v22;
	v24 =	vld.idx.msk [tilespmem:v58+s28+$0x0], $0xffff  }
0xf9: {  	v25 =	vor.u32 $0x4, v3;
	v27 =	vsub.f32 v32, v27;
	v28 =	vsub.f32 v33, v29;
	v26 =	vld.idx.msk [tilespmem:v54+s29+$0x0], $0xffff  }
0xfa: {  	v5 =	vor.u32 $0x6, v5;
	v30 =	vsub.f32 v35, v30;
	v31 =	vsub.f32 v37, v31;
	v29 =	vld.idx.msk [tilespmem:v56+s29+$0x0], $0xffff  }
0xfb: {  	v6 =	vor.u32 $0x6, v6;
	v33 =	vsub.f32 v39, v34;
	v34 =	vsub.f32 v41, v36;
	v32 =	vld.idx.msk [tilespmem:v58+s29+$0x0], $0xffff  }
0xfc: {  	v8 =	vor.u32 $0x6, v4;
	v4 =	vsub.f32 v43, v38;
	v36 =	vsub.f32 v45, v40;
	v35 =	vld.idx.msk [tilespmem:v18+s28+$0x0], $0xffff  }
0xfd: {  	v7 =	vor.u32 $0x6, v7;
	v38 =	vsub.f32 v47, v42;
	v39 =	vsub.f32 v49, v44;
	v37 =	vld.idx.msk [tilespmem:v23+s28+$0x0], $0xffff  }
0xfe: {  	v9 =	vmul.f32 v9, v9;
	v10 =	vmul.f32 v10, v10;
	v41 =	vsub.f32 v51, v46;
	v40 =	vld.idx.msk [tilespmem:v25+s28+$0x0], $0xffff  }
0xff: {  	v14 =	vmul.f32 v14, v14;
	v16 =	vmul.f32 v16, v16;
	v42 =	vsub.f32 v53, v48;
	v18 =	vld.idx.msk [tilespmem:v18+s29+$0x0], $0xffff  }
0x100: {  	v11 =	vmul.f32 v11, v11;
	v13 =	vmul.f32 v13, v13;
	v43 =	vsub.f32 v55, v50;
	v23 =	vld.idx.msk [tilespmem:v23+s29+$0x0], $0xffff  }
0x101: {  	s13 =	sadd.s32 $0x5, s13;
	v17 =	vmul.f32 v17, v17;
	v19 =	vmul.f32 v19, v19;
	v12 =	vsub.f32 v57, v12;
	v25 =	vld.idx.msk [tilespmem:v25+s29+$0x0], $0xffff  }
0x102: {  	p1 =	slt.u32 s13, $0x78;
	v21 =	vmul.f32 v21, v21;
	v22 =	vmul.f32 v22, v22;
	v15 =	vsub.f32 v15, v26  }
0x103: {  	v26 =	vmul.f32 v27, v27;
	v27 =	vmul.f32 v28, v28;
	v20 =	vsub.f32 v20, v29  }
0x104: {  	v28 =	vmul.f32 v30, v30;
	v29 =	vmul.f32 v33, v33;
	v24 =	vsub.f32 v24, v32  }
0x105: {  	v4 =	vmul.f32 v4, v4;
	v30 =	vmul.f32 v34, v34;
	v18 =	vsub.f32 v35, v18  }
0x106: {  	v33 =	vmul.f32 v41, v41;
	v32 =	vmul.f32 v39, v39;
	v23 =	vsub.f32 v37, v23  }
0x107: {  	v34 =	vmul.f32 v42, v42;
	v15 =	vmul.f32 v15, v15;
	v25 =	vsub.f32 v40, v25  }
0x108: {  	v9 =	vadd.f32 v17, v9;
	v17 =	vmul.f32 v20, v20;
	v20 =	vmul.f32 v24, v24  }
0x109: {  	v21 =	vadd.f32 v22, v21;
	v10 =	vadd.f32 v29, v10;
	v18 =	vmul.f32 v18, v18  }
0x10a: {  	v4 =	vadd.f32 v4, v30;
	v14 =	vadd.f32 v32, v14;
	v22 =	vmul.f32 v23, v23  }
0x10b: {  	v15 =	vadd.f32 v15, v16;
	v16 =	vadd.f32 v34, v33;
	v23 =	vmul.f32 v25, v25  }
0x10c: {  	v17 =	vadd.f32 v20, v17;
	v18 =	vadd.f32 v18, v19;
	v19 =	vmul.f32 v31, v31  }
0x10d: {  	v9 =	vadd.f32 v11, v9;
	v20 =	vmul.f32 v36, v36;
	v11 =	vadd.f32 v23, v22  }
0x10e: {  	v13 =	vadd.f32 v13, v21;
	v21 =	vmul.f32 v38, v38;
	v10 =	vadd.f32 v26, v10  }
0x10f: {  	v4 =	vadd.f32 v27, v4;
	v14 =	vadd.f32 v28, v14;
	v22 =	vmul.f32 v43, v43  }
0x110: {  	v12 =	vmul.f32 v12, v12;
	v15 =	vadd.f32 v20, v15;
	v16 =	vadd.f32 v19, v16  }
0x111: {  	v17 =	vadd.f32 v21, v17;
	v19 =	vor.u32 $0x6, v3;
	v3 =	vadd.f32 v22, v18  }
0x112: {  	v9 =	vmax.f32 v9, $9.999999930e-09;
	v13 =	vmax.f32 v13, $9.999999930e-09;
	v11 =	vadd.f32 v12, v11  }
0x113: {  	vm1 =	vlt.f32 v9, $1.600000000e+01;
	v10 =	vmax.f32 v10, $9.999999930e-09;
	v12 =	vadd.f32 v13, v9  }
0x114: {  	v4 =	vmax.f32 v4, $9.999999930e-09;
	v14 =	vmax.f32 v14, $9.999999930e-09;
	v16 =	vmax.f32 v16, $9.999999930e-09  }
0x115: {  	v15 =	vmax.f32 v15, $9.999999930e-09;
	v17 =	vmax.f32 v17, $9.999999930e-09;
	v18 =	vmax.f32 v3, $9.999999930e-09  }
0x116: {  	v13 =	vmul.f32 v13, v9;
	v11 =	vmax.f32 v11, $9.999999930e-09;
	v3 =	vadd.f32 v4, v10  }
0x117: {  	vm2 =	vlt.f32 v10, $1.600000000e+01;
	vm0 =	vlt.f32 v14, $1.600000000e+01;
	v9 =	vadd.f32 v16, v14  }
0x118: {  	v20 =	vadd.f32 v17, v15;
	v14 =	vmul.f32 v16, v14;
	v10 =	vmul.f32 v4, v10  }
0x119: {  	v17 =	vmul.f32 v17, v15;
	v4 =	vshra.s32 v13, $0x1;
	v16 =	vmul.f32 v11, v18  }
0x11a: {  	v21 =	vmul.f32 $5.000000000e-01, v13;
	v22 =	vshra.s32 v10, $0x1;
	v23 =	vmul.f32 $5.000000000e-01, v10  }
0x11b: {  	v4 =	vsub.s32 $0x5F3759DF, v4;
	v24 =	vshra.s32 v14, $0x1;
	v25 =	vmul.f32 $5.000000000e-01, v14  }
0x11c: {  	v26 =	vmul.f32 v4, v21;
	v27 =	vshra.s32 v16, $0x1;
	v28 =	vmul.f32 $5.000000000e-01, v16  }
0x11d: {  	v29 =	vshra.s32 v17, $0x1;
	v30 =	vmul.f32 $5.000000000e-01, v17;
	v27 =	vsub.s32 $0x5F3759DF, v27  }
0x11e: {  	v29 =	vsub.s32 $0x5F3759DF, v29;
	v26 =	vmul.f32 v4, v26;
	v31 =	vmul.f32 v27, v28  }
0x11f: {  	s12 =	sadd.s32 $0x50, s12;
	v32 =	vmul.f32 v29, v30;
	v24 =	vsub.s32 $0x5F3759DF, v24;
	v22 =	vsub.s32 $0x5F3759DF, v22  }
0x120: {  	v34 =	vmul.f32 v22, v23;
	v26 =	vsub.f32 $1.500000000e+00, v26;
	v31 =	vmul.f32 v27, v31;
	v33 =	vld [tilespmem:s12+$0xFFFFFFE0]  }
0x121: {  	vm3 =	vlt.f32 v15, $1.600000000e+01;
	v32 =	vmul.f32 v29, v32;
	v15 =	vmul.f32 v24, v25  }
0x122: {  	v11 =	vadd.f32 v11, v18;
	v26 =	vmul.f32 v4, v26;
	v4 =	vsub.f32 $1.500000000e+00, v31;
	v31 =	vld [tilespmem:s12+$0x20]  }
0x123: {  	v32 =	vsub.f32 $1.500000000e+00, v32;
	v15 =	vmul.f32 v24, v15;
	v34 =	vmul.f32 v22, v34  }
0x124: {  	vm4 =	vlt.f32 v18, $1.600000000e+01;
	v21 =	vmul.f32 v26, v21;
	v27 =	vmul.f32 v27, v4;
	v18 =	vld [tilespmem:s12+$0x10]  }
0x125: {  	v29 =	vmul.f32 v29, v32;
	v4 =	vsub.f32 $1.500000000e+00, v15;
	v33 =	vnsel vm1, $0x0, v33;
	v35 =	vld [tilespmem:s12+$0x0]  }
0x126: {  	v15 =	vmul.f32 v21, v26;
	v21 =	vmul.f32 v27, v28;
	v28 =	vsub.f32 $1.500000000e+00, v34  }
0x127: {  	v30 =	vmul.f32 v29, v30;
	v24 =	vmul.f32 v24, v4;
	v32 =	vld [tilespmem:s12+$0xFFFFFFF0];
	v4 =	vnsel vm2, $0x0, v31  }
0x128: {  	v15 =	vsub.f32 $1.500000000e+00, v15;
	v21 =	vmul.f32 v21, v27;
	v22 =	vmul.f32 v22, v28;
	v31 =	vld.idx.msk [tilespmem:v5+s28+$0x0], $0xffff  }
0x129: {  	v28 =	vmul.f32 v30, v29;
	v25 =	vmul.f32 v24, v25;
	v5 =	vnsel vm0, $0x0, v18  }
0x12a: {  	v15 =	vmul.f32 v15, v26;
	v18 =	vsub.f32 $1.500000000e+00, v21;
	v21 =	vld.idx.msk [tilespmem:v7+s28+$0x0], $0xffff;
	v7 =	vnsel vm3, $0x0, v35  }
0x12b: {  	v26 =	vsub.f32 $1.500000000e+00, v28;
	v25 =	vmul.f32 v25, v24;
	v23 =	vmul.f32 v22, v23  }
0x12c: {  	v13 =	vmul.f32 v15, v13;
	v18 =	vmul.f32 v18, v27;
	v15 =	vld.idx.msk [tilespmem:v19+s28+$0x0], $0xffff;
	v19 =	vnsel vm4, $0x0, v32  }
0x12d: {  	v26 =	vmul.f32 v26, v29;
	v25 =	vsub.f32 $1.500000000e+00, v25;
	v23 =	vmul.f32 v23, v22  }
0x12e: {  	v13 =	vadd.f32 v13, v13;
	v27 =	vmul.f32 v33, v31;
	v16 =	vmul.f32 v18, v16  }
0x12f: {  	v17 =	vmul.f32 v26, v17;
	v23 =	vsub.f32 $1.500000000e+00, v23;
	v18 =	vld.idx.msk [tilespmem:v8+s28+$0x0], $0xffff;
	v8 =	vmul.f32 v25, v24  }
0x130: {  	v12 =	vsub.f32 v12, v13;
	v13 =	vadd.f32 v16, v16;
	v16 =	vmul.f32 v7, v21  }
0x131: {  	v17 =	vadd.f32 v17, v17;
	v14 =	vmul.f32 v8, v14;
	v8 =	vld.idx.msk [tilespmem:v6+s28+$0x0], $0xffff;
	v6 =	vmul.f32 v23, v22  }
.Ltmp2:
0x132: {  	v12 =	vmul.f32 v12, v27;
	v11 =	vsub.f32 v11, v13;
	v13 =	vmul.f32 v19, v15;
	(pc) =	sbr.rel @p1 .LBB2_3-.Ltmp2, $4  }
0x133: {  	v15 =	vsub.f32 v20, v17;
	v14 =	vadd.f32 v14, v14;
	v6 =	vmul.f32 v6, v10  }
0x134: {  	v10 =	vadd.f32 v12, v1;
	v12 =	vadd.f32 v33, v2;
	v13 =	vmul.f32 v11, v13  }
0x135: {  	v2 =	vmul.f32 v5, v18;
	v1 =	vsub.f32 v9, v14;
	v11 =	vadd.f32 v6, v6  }
0x136: {  	s14 =	sadd.s32 $0x50, s14;
	v10 =	vadd.f32 v13, v10;
	v9 =	vadd.f32 v19, v12;
	v12 =	vmul.f32 v15, v16  }
0x137: {  	s12 =	simm.s32 @p0 $0x6  }
0x138: {  	_ =	swait.ge @p0 [sflag:s12], $0x3E80  }
0x139: {  	[sflag:s12] =	ssyncset.done @p0 $0x0  }
0x13a: {  	[sflag:s12] =	ssyncadd.s32 @p0 $0xFFFFC180;
	s12 =	simm.s32 @p0 $0x8  }
0x13b: {  	_ =	swait.ge @p0 [sflag:s12], $0x3E80  }
0x13c: {  	s11 =	sadd.s32 @!p0 s6, s11;
	[sflag:s12] =	ssyncset.done @p0 $0x0  }
0x13d: {  	s13 =	simm.s32 @!p0 $0x1F40;
	[sflag:s12] =	ssyncadd.s32 @p0 $0xFFFFC180;
	s12 =	simm.s32 @!p0 $0x0  }
0x13e: {  	[tilespmem:s13], [sflag:$0x3] =	stream.linear.gather @!p0 [hbm4b:s11+s12], $0x7D0, $0x38;
	[tilespmem:$0x1EC50] =	vst v63  }
0x13f: {  	s11 =	simm.s32 @!p0 $0x1  }
0x140: {  	_ =	swait.ge @!p0 [sflag:s11], $0x7D0  }
0x141: {  	[sflag:s11] =	ssyncset.done @!p0 $0x0  }
0x142: {  	[sflag:s11] =	ssyncadd.s32 @!p0 $0xFFFFF830  }
0x143: {  	_ =	swait.ge @!p0 [sflag:s11], $0x7D0  }
0x144: {  	[sflag:s11] =	ssyncset.done @!p0 $0x0  }
0x145: {  	s13 =	simm.s32 @!p0 $0x2EE0;
	[sflag:s11] =	ssyncadd.s32 @!p0 $0xFFFFF830;
	s11 =	simm.s32 @!p0 $0x7D0  }
0x146: {  	[tilespmem:s13], [sflag:$0x5] =	stream.indirect.gather @!p0 [spmem:s4], $0x8, s12, s11, $0xb8;
	[tilespmem:$0x1EC50] =	vst v63  }
0x147: {  	s14 =	simm.s32 @!p0 $0xABE0;
	s13 =	simm.s32 @!p0 $0xFA0  }
0x148: {  	[tilespmem:s14], [sflag:$0x7] =	stream.indirect.gather @!p0 [spmem:s4], $0x8, s13, s11, $0xb8;
	[tilespmem:$0x1EC50] =	vst v63  }
0x149: {  	s13 =	simm.s32 @!p0 $0x6  }
0x14a: {  	_ =	swait.ge @!p0 [sflag:s13], $0x3E80  }
0x14b: {  	[sflag:s13] =	ssyncset.done @!p0 $0x0  }
0x14c: {  	[sflag:s13] =	ssyncadd.s32 @!p0 $0xFFFFC180;
	s13 =	simm.s32 @!p0 $0x8  }
0x14d: {  	s10 =	sadd.s32 @!p0 s10, s16;
	_ =	swait.ge @!p0 [sflag:s13], $0x3E80  }
0x14e: {  	s17 =	simm.s32 $0x0;
	s10 =	sshrl.u32 @!p0 s10, $0x3;
	[sflag:s13] =	ssyncset.done @!p0 $0x0  }
0x14f: {  	v6 =	vmov s17;
	s17 =	simm.s32 $0x40;
	[sflag:s13] =	ssyncadd.s32 @!p0 $0xFFFFC180;
	s13 =	sadd.s32 @!p0 s2, s10  }
0x150: {  	v6 =	vshll.u32 v6, $0x3;
	[tilespmem:s11], [sflag:$0x2] =	stream.linear.gather @!p0 [hbm4b:s13+s12], $0x7D0, $0x38;
	[tilespmem:$0x1EC50] =	vst v63  }
0x151: {  	v13 =	vor.u32 v0, v6;
	v6 =	vmov s17;
	s10 =	sadd.s32 @!p0 s3, s10;
	s11 =	simm.s32 @!p0 $0x1770  }
0x152: {  	v6 =	vshll.u32 v6, $0x3;
	[tilespmem:s11], [sflag:$0x2] =	stream.linear.gather @!p0 [hbm4b:s10+s12], $0x7D0, $0x38;
	[tilespmem:$0x1EC50] =	vst v63  }
0x153: {  	v15 =	vor.u32 v0, v6;
	_ =	swait.ge [sflag:s7], $0x7D0  }
0x154: {  	[sflag:s7] =	ssyncset.done $0x0  }
0x155: {  	v20 =	vor.u32 $0x2, v13;
	[sflag:s7] =	ssyncadd.s32 $0xFFFFF830  }
0x156: {  	v22 =	vor.u32 $0x5, v13;
	v17 =	vld.idx.msk [tilespmem:v13+s31+$0x0], $0xffff  }
0x157: {  	v62 =	vld.idx.msk [tilespmem:v13+s0+$0x0], $0xffff  }
0x158: {  	v19 =	vld.idx.msk [tilespmem:v15+s31+$0x0], $0xffff  }
0x159: {  	v28 =	vor.u32 $0x1, v13;
	v21 =	vld.idx.msk [tilespmem:v15+s0+$0x0], $0xffff  }
0x15a: {  	v30 =	vor.u32 $0x3, v13;
	v27 =	vld.idx.msk [tilespmem:v20+s31+$0x0], $0xffff  }
0x15b: {  	v31 =	vor.u32 $0x4, v13;
	v29 =	vld.idx.msk [tilespmem:v22+s31+$0x0], $0xffff  }
0x15c: {  	v20 =	vld.idx.msk [tilespmem:v20+s0+$0x0], $0xffff  }
0x15d: {  	v22 =	vld.idx.msk [tilespmem:v22+s0+$0x0], $0xffff  }
0x15e: {  	v34 =	vld.idx.msk [tilespmem:v28+s31+$0x0], $0xffff  }
0x15f: {  	v36 =	vor.u32 $0x2, v15;
	v35 =	vld.idx.msk [tilespmem:v30+s31+$0x0], $0xffff  }
0x160: {  	v38 =	vor.u32 $0x5, v15;
	v37 =	vld.idx.msk [tilespmem:v31+s31+$0x0], $0xffff  }
0x161: {  	v28 =	vld.idx.msk [tilespmem:v28+s0+$0x0], $0xffff  }
0x162: {  	v30 =	vld.idx.msk [tilespmem:v30+s0+$0x0], $0xffff  }
0x163: {  	v43 =	vor.u32 $0x1, v15;
	v31 =	vld.idx.msk [tilespmem:v31+s0+$0x0], $0xffff  }
0x164: {  	v45 =	vor.u32 $0x3, v15;
	v41 =	vld.idx.msk [tilespmem:v36+s31+$0x0], $0xffff  }
0x165: {  	v47 =	vor.u32 $0x4, v15;
	v42 =	vld.idx.msk [tilespmem:v38+s31+$0x0], $0xffff  }
0x166: {  	s13 =	simm.s32 $0x30;
	v36 =	vld.idx.msk [tilespmem:v36+s0+$0x0], $0xffff  }
0x167: {  	v14 =	vmov s13;
	v38 =	vld.idx.msk [tilespmem:v38+s0+$0x0], $0xffff  }
0x168: {  	s14 =	simm.s32 $0x20;
	v6 =	vshll.u32 v14, $0x3;
	v48 =	vld.idx.msk [tilespmem:v43+s31+$0x0], $0xffff  }
0x169: {  	v61 =	vmov s14;
	v16 =	vor.u32 v0, v6;
	v50 =	vld.idx.msk [tilespmem:v45+s31+$0x0], $0xffff  }
0x16a: {  	v6 =	vshll.u32 v61, $0x3;
	v52 =	vld.idx.msk [tilespmem:v47+s31+$0x0], $0xffff  }
0x16b: {  	v18 =	vor.u32 v0, v6;
	v43 =	vld.idx.msk [tilespmem:v43+s0+$0x0], $0xffff  }
0x16c: {  	v45 =	vld.idx.msk [tilespmem:v45+s0+$0x0], $0xffff  }
0x16d: {  	v39 =	vor.u32 $0x2, v16;
	v47 =	vld.idx.msk [tilespmem:v47+s0+$0x0], $0xffff  }
0x16e: {  	v40 =	vor.u32 $0x5, v16;
	v23 =	vld.idx.msk [tilespmem:v16+s31+$0x0], $0xffff  }
0x16f: {  	v24 =	vld.idx.msk [tilespmem:v16+s0+$0x0], $0xffff  }
0x170: {  	v25 =	vld.idx.msk [tilespmem:v18+s31+$0x0], $0xffff  }
0x171: {  	v53 =	vor.u32 $0x1, v16;
	v26 =	vld.idx.msk [tilespmem:v18+s0+$0x0], $0xffff  }
0x172: {  	v55 =	vor.u32 $0x3, v16;
	v44 =	vld.idx.msk [tilespmem:v39+s31+$0x0], $0xffff  }
0x173: {  	v57 =	vor.u32 $0x4, v16;
	v46 =	vld.idx.msk [tilespmem:v40+s31+$0x0], $0xffff  }
0x174: {  	v39 =	vld.idx.msk [tilespmem:v39+s0+$0x0], $0xffff  }
0x175: {  	v40 =	vld.idx.msk [tilespmem:v40+s0+$0x0], $0xffff  }
0x176: {  	v3 =	vsub.f32 v3, v11;
	v11 =	vld.idx.msk [tilespmem:v53+s31+$0x0], $0xffff  }
0x177: {  	v49 =	vor.u32 $0x2, v18;
	v58 =	vld.idx.msk [tilespmem:v55+s31+$0x0], $0xffff  }
0x178: {  	v8 =	vmul.f32 v4, v8;
	s17 =	simm.s32 $0x10;
	v51 =	vor.u32 $0x5, v18;
	v59 =	vld.idx.msk [tilespmem:v57+s31+$0x0], $0xffff  }
0x179: {  	v1 =	vmul.f32 v1, v2;
	v10 =	vadd.f32 v12, v10;
	v6 =	vmov s17;
	v53 =	vld.idx.msk [tilespmem:v53+s0+$0x0], $0xffff  }
0x17a: {  	v7 =	vadd.f32 v7, v9;
	v3 =	vmul.f32 v3, v8;
	v6 =	vshll.u32 v6, $0x3;
	v8 =	vld.idx.msk [tilespmem:v55+s0+$0x0], $0xffff  }
0x17b: {  	v1 =	vadd.f32 v1, v10;
	v6 =	vor.u32 v0, v6;
	v10 =	vld.idx.msk [tilespmem:v57+s0+$0x0], $0xffff  }
0x17c: {  	v2 =	vadd.f32 v5, v7;
	v54 =	vld.idx.msk [tilespmem:v49+s31+$0x0], $0xffff  }
0x17d: {  	v63 =	vor.u32 $0x2, v6;
	v56 =	vld.idx.msk [tilespmem:v51+s31+$0x0], $0xffff  }
0x17e: {  	v7 =	vor.u32 $0x6, v13;
	v1 =	vadd.f32 v3, v1;
	v2 =	vadd.f32 v4, v2;
	v49 =	vld.idx.msk [tilespmem:v49+s0+$0x0], $0xffff  }
0x17f: {  	v5 =	vor.u32 $0x1, v18;
	v9 =	vor.u32 $0x5, v6;
	v51 =	vld.idx.msk [tilespmem:v51+s0+$0x0], $0xffff;
	v14 =	vsub.f32 v17, v62  }
0x180: {  	v4 =	vor.u32 $0x3, v18;
	v32 =	vld.idx.msk [tilespmem:v6+s31+$0x0], $0xffff;
	v61 =	vsub.f32 v19, v21;
	v20 =	vsub.f32 v27, v20  }
0x181: {  	v60 =	vor.u32 $0x4, v18;
	v33 =	vld.idx.msk [tilespmem:v6+s0+$0x0], $0xffff;
	v22 =	vsub.f32 v29, v22;
	v29 =	vsub.f32 v35, v30  }
0x182: {  	v30 =	vsub.f32 v37, v31;
	v62 =	vor.u32 $0x3, v6;
	v35 =	vsub.f32 v42, v38;
	v3 =	vld.idx.msk [tilespmem:v63+s31+$0x0], $0xffff  }
0x183: {  	v52 =	vsub.f32 v52, v47;
	v12 =	vld.idx.msk [tilespmem:v63+s0+$0x0], $0xffff;
	v63 =	vor.u32 $0x4, v6;
	v14 =	vmul.f32 v14, v14  }
0x184: {  	v55 =	vld.idx.msk [tilespmem:v9+s31+$0x0], $0xffff;
	v21 =	vsub.f32 v23, v24;
	v17 =	vmul.f32 v61, v61;
	v20 =	vmul.f32 v20, v20  }
0x185: {  	v23 =	vld.idx.msk [tilespmem:v9+s0+$0x0], $0xffff;
	v9 =	vor.u32 $0x6, v18;
	v22 =	vmul.f32 v22, v22;
	v29 =	vmul.f32 v29, v29  }
0x186: {  	v38 =	vld.idx.msk [tilespmem:v4+s0+$0x0], $0xffff;
	v30 =	vmul.f32 v30, v30;
	v19 =	vsub.f32 v25, v26;
	v25 =	vsub.f32 v34, v28  }
0x187: {  	v24 =	vld.idx.msk [tilespmem:v5+s31+$0x0], $0xffff;
	v26 =	vor.u32 $0x1, v6;
	v34 =	vsub.f32 v41, v36;
	v13 =	vsub.f32 v44, v39  }
0x188: {  	v28 =	vld.idx.msk [tilespmem:v4+s31+$0x0], $0xffff;
	v37 =	vsub.f32 v46, v40;
	v4 =	vor.u32 $0x6, v15;
	v15 =	vsub.f32 v48, v43  }
0x189: {  	v36 =	vld.idx.msk [tilespmem:v5+s0+$0x0], $0xffff;
	v48 =	vsub.f32 v50, v45;
	v5 =	vor.u32 $0x6, v16;
	v11 =	vsub.f32 v11, v53  }
0x18a: {  	v8 =	vsub.f32 v58, v8;
	v10 =	vsub.f32 v59, v10;
	v45 =	vmul.f32 v35, v35  }
0x18b: {  	v16 =	vmul.f32 v52, v52;
	v41 =	vsub.f32 v54, v49;
	v21 =	vmul.f32 v21, v21  }
0x18c: {  	v57 =	vsub.f32 v56, v51;
	v19 =	vmul.f32 v19, v19;
	v25 =	vmul.f32 v25, v25  }
0x18d: {  	v50 =	vld.idx.msk [tilespmem:v60+s0+$0x0], $0xffff;
	v29 =	vadd.f32 v30, v29;
	v13 =	vmul.f32 v13, v13;
	v15 =	vmul.f32 v15, v15  }
0x18e: {  	v27 =	vsub.f32 v32, v33;
	v32 =	vld.idx.msk [tilespmem:v60+s31+$0x0], $0xffff;
	v46 =	vmul.f32 v48, v48;
	v11 =	vmul.f32 v11, v11  }
0x18f: {  	v60 =	vld.idx.msk [tilespmem:v62+s31+$0x0], $0xffff;
	v8 =	vmul.f32 v8, v8;
	v10 =	vmul.f32 v10, v10;
	v3 =	vsub.f32 v3, v12  }
0x190: {  	v62 =	vld.idx.msk [tilespmem:v62+s0+$0x0], $0xffff;
	v51 =	vmul.f32 v37, v37;
	v53 =	vadd.f32 v22, v29;
	v23 =	vsub.f32 v55, v23  }
0x191: {  	v61 =	vld.idx.msk [tilespmem:v63+s31+$0x0], $0xffff;
	v52 =	vmul.f32 v41, v41;
	v14 =	vadd.f32 v25, v14;
	v15 =	vadd.f32 v15, v17  }
0x192: {  	v63 =	vld.idx.msk [tilespmem:v63+s0+$0x0], $0xffff;
	v18 =	vmul.f32 v57, v57;
	v11 =	vadd.f32 v11, v21;
	v16 =	vadd.f32 v16, v46  }
0x193: {  	v27 =	vmul.f32 v27, v27;
	v8 =	vadd.f32 v10, v8;
	v54 =	vld.idx.msk [tilespmem:v26+s31+$0x0], $0xffff;
	v24 =	vsub.f32 v24, v36  }
0x194: {  	v26 =	vld.idx.msk [tilespmem:v26+s0+$0x0], $0xffff;
	v28 =	vsub.f32 v28, v38;
	v38 =	vmul.f32 v34, v34;
	v3 =	vmul.f32 v3, v3  }
0x195: {  	v56 =	vmax.f32 v53, $9.999999930e-09;
	v14 =	vadd.f32 v20, v14;
	v11 =	vadd.f32 v13, v11  }
0x196: {  	v55 =	vmul.f32 v23, v23;
	v8 =	vadd.f32 v51, v8;
	v32 =	vsub.f32 v32, v50  }
0x197: {  	v12 =	vsub.f32 v60, v62;
	v24 =	vmul.f32 v24, v24;
	v47 =	vmul.f32 v28, v28  }
0x198: {  	v15 =	vadd.f32 v38, v15;
	v31 =	vsub.f32 v61, v63;
	v11 =	vmax.f32 v11, $9.999999930e-09  }
0x199: {  	v8 =	vmax.f32 v8, $9.999999930e-09;
	v48 =	vmul.f32 v32, v32;
	v26 =	vsub.f32 v54, v26  }
0x19a: {  	v12 =	vmul.f32 v12, v12;
	v19 =	vadd.f32 v24, v19;
	v49 =	vmul.f32 v31, v31  }
0x19b: {  	v54 =	vadd.f32 v45, v16;
	v50 =	vadd.f32 v48, v47;
	v26 =	vmul.f32 v26, v26  }
0x19c: {  	v15 =	vmax.f32 v15, $9.999999930e-09;
	v17 =	vadd.f32 v52, v19;
	v12 =	vadd.f32 v49, v12  }
0x19d: {  	v19 =	vor.u32 $0x6, v6;
	v6 =	vadd.f32 v18, v50;
	v10 =	vadd.f32 v26, v27  }
0x19e: {  	vm0 =	vlt.f32 v11, $1.600000000e+01;
	v13 =	vmax.f32 v54, $9.999999930e-09;
	v12 =	vadd.f32 v55, v12  }
0x19f: {  	v17 =	vmax.f32 v17, $9.999999930e-09;
	v6 =	vmax.f32 v6, $9.999999930e-09;
	v3 =	vadd.f32 v3, v10  }
0x1a0: {  	v10 =	vmax.f32 v14, $9.999999930e-09;
	v12 =	vmax.f32 v12, $9.999999930e-09;
	v14 =	vadd.f32 v8, v11  }
0x1a1: {  	v20 =	vadd.f32 v6, v17;
	v11 =	vmul.f32 v8, v11;
	v59 =	vmul.f32 v6, v17  }
0x1a2: {  	v16 =	vadd.f32 v56, v10;
	vm1 =	vlt.f32 v10, $1.600000000e+01;
	v10 =	vmul.f32 v56, v10  }
0x1a3: {  	v57 =	vmax.f32 v3, $9.999999930e-09;
	v3 =	vadd.f32 v13, v15;
	v13 =	vmul.f32 v13, v15  }
0x1a4: {  	v62 =	vshra.s32 v11, $0x1;
	v63 =	vmul.f32 $5.000000000e-01, v11;
	v38 =	vshra.s32 v59, $0x1  }
0x1a5: {  	v8 =	vshra.s32 v10, $0x1;
	v58 =	vmul.f32 v12, v57;
	v6 =	vmul.f32 $5.000000000e-01, v10  }
0x1a6: {  	v39 =	vmul.f32 $5.000000000e-01, v59;
	v29 =	vsub.s32 $0x5F3759DF, v38;
	v8 =	vsub.s32 $0x5F3759DF, v8  }
0x1a7: {  	v35 =	vmul.f32 v8, v6;
	v36 =	vshra.s32 v58, $0x1;
	v37 =	vmul.f32 $5.000000000e-01, v58  }
0x1a8: {  	v61 =	vmul.f32 $5.000000000e-01, v13;
	v41 =	vmul.f32 v29, v39;
	v27 =	vsub.s32 $0x5F3759DF, v36  }
0x1a9: {  	s10 =	simm.s32 $0x2730;
	v24 =	vsub.s32 $0x5F3759DF, v62;
	v26 =	vmul.f32 v8, v35;
	v40 =	vmul.f32 v27, v37  }
0x1aa: {  	v47 =	vld [tilespmem:s10+$0x0];
	v60 =	vshra.s32 v13, $0x1;
	v44 =	vmul.f32 v24, v63;
	v32 =	vmul.f32 v29, v41  }
0x1ab: {  	v22 =	vsub.s32 $0x5F3759DF, v60;
	v26 =	vsub.f32 $1.500000000e+00, v26;
	v31 =	vmul.f32 v27, v40  }
0x1ac: {  	v42 =	vld [tilespmem:s10+$0xFFFFFFE0];
	vm3 =	vlt.f32 v17, $1.600000000e+01;
	v43 =	vmul.f32 v22, v61;
	v32 =	vsub.f32 $1.500000000e+00, v32  }
0x1ad: {  	v17 =	vmul.f32 v24, v44;
	v26 =	vmul.f32 v8, v26;
	v8 =	vsub.f32 $1.500000000e+00, v31  }
0x1ae: {  	vm2 =	vlt.f32 v15, $1.600000000e+01;
	v34 =	vmul.f32 v22, v43;
	v29 =	vmul.f32 v29, v32  }
0x1af: {  	v52 =	vld.idx.msk [tilespmem:v7+s31+$0x0], $0xffff;
	v7 =	vnsel vm3, $0x0, v47;
	v6 =	vmul.f32 v26, v6;
	v27 =	vmul.f32 v27, v8  }
0x1b0: {  	v49 =	vsub.f32 $1.500000000e+00, v34;
	v30 =	vmul.f32 v29, v39;
	v8 =	vsub.f32 $1.500000000e+00, v17  }
0x1b1: {  	v33 =	vnsel vm1, $0x0, v42;
	v6 =	vmul.f32 v6, v26;
	v48 =	vmul.f32 v27, v37  }
0x1b2: {  	v50 =	vld [tilespmem:s10+$0xFFFFFFF0];
	v12 =	vadd.f32 v12, v57;
	v22 =	vmul.f32 v22, v49;
	v24 =	vmul.f32 v24, v8  }
0x1b3: {  	v19 =	vld.idx.msk [tilespmem:v19+s31+$0x0], $0xffff;
	v30 =	vmul.f32 v30, v29;
	v51 =	vsub.f32 $1.500000000e+00, v6;
	v17 =	vmul.f32 v48, v27  }
0x1b4: {  	vm4 =	vlt.f32 v57, $1.600000000e+01;
	v23 =	vmul.f32 v22, v61;
	v25 =	vmul.f32 v24, v63  }
0x1b5: {  	v45 =	vld [tilespmem:s10+$0x20];
	v56 =	vmul.f32 v33, v52;
	v53 =	vmul.f32 v51, v26;
	v17 =	vsub.f32 $1.500000000e+00, v17  }
0x1b6: {  	v54 =	vsub.f32 $1.500000000e+00, v30;
	v23 =	vmul.f32 v23, v22;
	v25 =	vmul.f32 v25, v24  }
0x1b7: {  	v9 =	vld.idx.msk [tilespmem:v9+s31+$0x0], $0xffff;
	v55 =	vnsel vm4, $0x0, v50;
	v10 =	vmul.f32 v53, v10;
	v17 =	vmul.f32 v17, v27  }
0x1b8: {  	v46 =	vld [tilespmem:s10+$0x10];
	v61 =	vmul.f32 v55, v19;
	v26 =	vmul.f32 v54, v29;
	v25 =	vsub.f32 $1.500000000e+00, v25  }
0x1b9: {  	v23 =	vsub.f32 $1.500000000e+00, v23;
	v10 =	vadd.f32 v10, v10;
	v15 =	vmul.f32 v17, v58  }
0x1ba: {  	v8 =	vnsel vm2, $0x0, v45;
	v57 =	vmul.f32 v26, v59;
	v58 =	vmul.f32 v25, v24  }
0x1bb: {  	v5 =	vld.idx.msk [tilespmem:v5+s31+$0x0], $0xffff;
	v60 =	vmul.f32 v23, v22;
	v10 =	vsub.f32 v16, v10;
	v15 =	vadd.f32 v15, v15  }
0x1bc: {  	v59 =	vmul.f32 v7, v9;
	v9 =	vadd.f32 v57, v57;
	v11 =	vmul.f32 v58, v11  }
0x1bd: {  	v4 =	vld.idx.msk [tilespmem:v4+s31+$0x0], $0xffff;
	v6 =	vnsel vm0, $0x0, v46;
	v10 =	vmul.f32 v10, v56;
	v12 =	vsub.f32 v12, v15  }
0x1be: {  	v62 =	vsub.f32 v20, v9;
	v9 =	vadd.f32 v11, v11;
	v11 =	vmul.f32 v60, v13  }
0x1bf: {  	v63 =	vadd.f32 v33, v2;
	v10 =	vadd.f32 v10, v1;
	v12 =	vmul.f32 v12, v61  }
0x1c0: {  	v2 =	vmul.f32 v6, v5;
	v1 =	vsub.f32 v14, v9;
	v5 =	vadd.f32 v11, v11  }
0x1c1: {  	s11 =	simm.s32 $0x0;
	s12 =	simm.s32 $0x50;
	v11 =	vmul.f32 v62, v59;
	v9 =	vadd.f32 v12, v10;
	v10 =	vadd.f32 v55, v63  }
.LBB2_5:
0x1c2: {  	v12 =	vmov s12;
	v3 =	vsub.f32 v3, v5;
	v4 =	vmul.f32 v8, v4  }
0x1c3: {  	v1 =	vmul.f32 v1, v2;
	v5 =	vadd.f32 v11, v9;
	v7 =	vadd.f32 v7, v10  }
0x1c4: {  	v2 =	vshll.u32 v12, $0x3  }
0x1c5: {  	s13 =	sadd.s32 $0x40, s12;
	v3 =	vmul.f32 v3, v4;
	v1 =	vadd.f32 v1, v5;
	v5 =	vadd.f32 v6, v7  }
0x1c6: {  	v4 =	vor.u32 v0, v2;
	v2 =	vmov s13  }
0x1c7: {  	s13 =	sadd.s32 $0x30, s12;
	v6 =	vshll.u32 v2, $0x3;
	v1 =	vadd.f32 v3, v1;
	v2 =	vadd.f32 v8, v5  }
0x1c8: {  	v7 =	vor.u32 v0, v6;
	v3 =	vmov s13  }
0x1c9: {  	s13 =	sadd.s32 $0x20, s12;
	v3 =	vshll.u32 v3, $0x3  }
0x1ca: {  	v6 =	vmov s13;
	v5 =	vor.u32 v0, v3  }
0x1cb: {  	v3 =	vshll.u32 v6, $0x3;
	v9 =	vld.idx.msk [tilespmem:v4+s31+$0x0], $0xffff  }
0x1cc: {  	v8 =	vor.u32 v0, v3;
	v6 =	vld.idx.msk [tilespmem:v4+s0+$0x0], $0xffff  }
0x1cd: {  	v10 =	vld.idx.msk [tilespmem:v7+s31+$0x0], $0xffff  }
0x1ce: {  	v11 =	vor.u32 $0x2, v4;
	v12 =	vld.idx.msk [tilespmem:v7+s0+$0x0], $0xffff  }
0x1cf: {  	v13 =	vor.u32 $0x5, v4;
	s13 =	sadd.s32 $0x10, s12;
	v14 =	vld.idx.msk [tilespmem:v5+s31+$0x0], $0xffff  }
0x1d0: {  	v3 =	vmov s13;
	v15 =	vld.idx.msk [tilespmem:v5+s0+$0x0], $0xffff  }
0x1d1: {  	v3 =	vshll.u32 v3, $0x3;
	v16 =	vld.idx.msk [tilespmem:v8+s31+$0x0], $0xffff  }
0x1d2: {  	v3 =	vor.u32 v0, v3;
	v17 =	vld.idx.msk [tilespmem:v8+s0+$0x0], $0xffff  }
0x1d3: {  	v18 =	vld.idx.msk [tilespmem:v11+s31+$0x0], $0xffff  }
0x1d4: {  	v19 =	vor.u32 $0x1, v4;
	v20 =	vld.idx.msk [tilespmem:v13+s31+$0x0], $0xffff  }
0x1d5: {  	v21 =	vor.u32 $0x3, v4;
	v11 =	vld.idx.msk [tilespmem:v11+s0+$0x0], $0xffff  }
0x1d6: {  	v22 =	vor.u32 $0x4, v4;
	v13 =	vld.idx.msk [tilespmem:v13+s0+$0x0], $0xffff  }
0x1d7: {  	v23 =	vld.idx.msk [tilespmem:v3+s31+$0x0], $0xffff  }
0x1d8: {  	v24 =	vld.idx.msk [tilespmem:v3+s0+$0x0], $0xffff  }
0x1d9: {  	v25 =	vld.idx.msk [tilespmem:v19+s31+$0x0], $0xffff  }
0x1da: {  	v27 =	vor.u32 $0x2, v7;
	v26 =	vld.idx.msk [tilespmem:v21+s31+$0x0], $0xffff  }
0x1db: {  	v29 =	vor.u32 $0x5, v7;
	v28 =	vld.idx.msk [tilespmem:v22+s31+$0x0], $0xffff  }
0x1dc: {  	v19 =	vld.idx.msk [tilespmem:v19+s0+$0x0], $0xffff  }
0x1dd: {  	v21 =	vld.idx.msk [tilespmem:v21+s0+$0x0], $0xffff  }
0x1de: {  	v30 =	vor.u32 $0x2, v5;
	v22 =	vld.idx.msk [tilespmem:v22+s0+$0x0], $0xffff  }
0x1df: {  	v31 =	vor.u32 $0x5, v5;
	v32 =	vld.idx.msk [tilespmem:v27+s31+$0x0], $0xffff  }
0x1e0: {  	v33 =	vld.idx.msk [tilespmem:v29+s31+$0x0], $0xffff  }
0x1e1: {  	v27 =	vld.idx.msk [tilespmem:v27+s0+$0x0], $0xffff  }
0x1e2: {  	v34 =	vor.u32 $0x1, v7;
	v29 =	vld.idx.msk [tilespmem:v29+s0+$0x0], $0xffff  }
0x1e3: {  	v36 =	vor.u32 $0x3, v7;
	v35 =	vld.idx.msk [tilespmem:v30+s31+$0x0], $0xffff  }
0x1e4: {  	v38 =	vor.u32 $0x4, v7;
	v37 =	vld.idx.msk [tilespmem:v31+s31+$0x0], $0xffff  }
0x1e5: {  	v30 =	vld.idx.msk [tilespmem:v30+s0+$0x0], $0xffff  }
0x1e6: {  	v31 =	vld.idx.msk [tilespmem:v31+s0+$0x0], $0xffff  }
0x1e7: {  	v39 =	vld.idx.msk [tilespmem:v34+s31+$0x0], $0xffff  }
0x1e8: {  	v40 =	vor.u32 $0x2, v8;
	v41 =	vld.idx.msk [tilespmem:v36+s31+$0x0], $0xffff  }
0x1e9: {  	v42 =	vor.u32 $0x5, v8;
	v43 =	vld.idx.msk [tilespmem:v38+s31+$0x0], $0xffff  }
0x1ea: {  	v34 =	vld.idx.msk [tilespmem:v34+s0+$0x0], $0xffff  }
0x1eb: {  	v36 =	vld.idx.msk [tilespmem:v36+s0+$0x0], $0xffff  }
0x1ec: {  	v44 =	vor.u32 $0x1, v5;
	v38 =	vld.idx.msk [tilespmem:v38+s0+$0x0], $0xffff  }
0x1ed: {  	v46 =	vor.u32 $0x3, v5;
	v45 =	vld.idx.msk [tilespmem:v40+s31+$0x0], $0xffff  }
0x1ee: {  	v48 =	vor.u32 $0x4, v5;
	v47 =	vld.idx.msk [tilespmem:v42+s31+$0x0], $0xffff  }
0x1ef: {  	v40 =	vld.idx.msk [tilespmem:v40+s0+$0x0], $0xffff  }
0x1f0: {  	v42 =	vld.idx.msk [tilespmem:v42+s0+$0x0], $0xffff  }
0x1f1: {  	v49 =	vld.idx.msk [tilespmem:v44+s31+$0x0], $0xffff  }
0x1f2: {  	v50 =	vor.u32 $0x2, v3;
	v51 =	vld.idx.msk [tilespmem:v46+s31+$0x0], $0xffff  }
0x1f3: {  	v52 =	vor.u32 $0x5, v3;
	v53 =	vld.idx.msk [tilespmem:v48+s31+$0x0], $0xffff  }
0x1f4: {  	v44 =	vld.idx.msk [tilespmem:v44+s0+$0x0], $0xffff  }
0x1f5: {  	v46 =	vld.idx.msk [tilespmem:v46+s0+$0x0], $0xffff  }
0x1f6: {  	v54 =	vor.u32 $0x1, v8;
	v48 =	vld.idx.msk [tilespmem:v48+s0+$0x0], $0xffff  }
0x1f7: {  	v56 =	vor.u32 $0x3, v8;
	v55 =	vld.idx.msk [tilespmem:v50+s31+$0x0], $0xffff  }
0x1f8: {  	v58 =	vor.u32 $0x4, v8;
	v57 =	vld.idx.msk [tilespmem:v52+s31+$0x0], $0xffff  }
0x1f9: {  	v9 =	vsub.f32 v9, v6;
	v10 =	vsub.f32 v10, v12;
	v50 =	vld.idx.msk [tilespmem:v50+s0+$0x0], $0xffff  }
0x1fa: {  	v14 =	vsub.f32 v14, v15;
	v16 =	vsub.f32 v16, v17;
	v12 =	vld.idx.msk [tilespmem:v52+s0+$0x0], $0xffff  }
0x1fb: {  	v11 =	vsub.f32 v18, v11;
	v13 =	vsub.f32 v20, v13;
	v15 =	vld.idx.msk [tilespmem:v54+s31+$0x0], $0xffff  }
0x1fc: {  	v18 =	vor.u32 $0x1, v3;
	v17 =	vsub.f32 v25, v19;
	v19 =	vsub.f32 v23, v24;
	v20 =	vld.idx.msk [tilespmem:v56+s31+$0x0], $0xffff  }
0x1fd: {  	v23 =	vor.u32 $0x3, v3;
	v21 =	vsub.f32 v26, v21;
	v22 =	vsub.f32 v28, v22;
	v24 =	vld.idx.msk [tilespmem:v58+s31+$0x0], $0xffff  }
0x1fe: {  	v25 =	vor.u32 $0x4, v3;
	v27 =	vsub.f32 v32, v27;
	v28 =	vsub.f32 v33, v29;
	v26 =	vld.idx.msk [tilespmem:v54+s0+$0x0], $0xffff  }
0x1ff: {  	v6 =	vor.u32 $0x6, v4;
	v30 =	vsub.f32 v35, v30;
	v31 =	vsub.f32 v37, v31;
	v29 =	vld.idx.msk [tilespmem:v56+s0+$0x0], $0xffff  }
0x200: {  	v4 =	vor.u32 $0x6, v7;
	v33 =	vsub.f32 v39, v34;
	v34 =	vsub.f32 v41, v36;
	v32 =	vld.idx.msk [tilespmem:v58+s0+$0x0], $0xffff  }
0x201: {  	v5 =	vor.u32 $0x6, v5;
	v37 =	vsub.f32 v43, v38;
	v36 =	vsub.f32 v45, v40;
	v35 =	vld.idx.msk [tilespmem:v18+s31+$0x0], $0xffff  }
0x202: {  	v7 =	vor.u32 $0x6, v8;
	v8 =	vsub.f32 v47, v42;
	v39 =	vsub.f32 v49, v44;
	v38 =	vld.idx.msk [tilespmem:v23+s31+$0x0], $0xffff  }
0x203: {  	v9 =	vmul.f32 v9, v9;
	v10 =	vmul.f32 v10, v10;
	v41 =	vsub.f32 v51, v46;
	v40 =	vld.idx.msk [tilespmem:v25+s31+$0x0], $0xffff  }
0x204: {  	v14 =	vmul.f32 v14, v14;
	v16 =	vmul.f32 v16, v16;
	v42 =	vsub.f32 v53, v48;
	v18 =	vld.idx.msk [tilespmem:v18+s0+$0x0], $0xffff  }
0x205: {  	v11 =	vmul.f32 v11, v11;
	v13 =	vmul.f32 v13, v13;
	v43 =	vsub.f32 v55, v50;
	v23 =	vld.idx.msk [tilespmem:v23+s0+$0x0], $0xffff  }
0x206: {  	s11 =	sadd.s32 $0x5, s11;
	v17 =	vmul.f32 v17, v17;
	v19 =	vmul.f32 v19, v19;
	v12 =	vsub.f32 v57, v12;
	v25 =	vld.idx.msk [tilespmem:v25+s0+$0x0], $0xffff  }
0x207: {  	p1 =	slt.u32 s11, $0x78;
	v21 =	vmul.f32 v21, v21;
	v22 =	vmul.f32 v22, v22;
	v15 =	vsub.f32 v15, v26  }
0x208: {  	v26 =	vmul.f32 v27, v27;
	v27 =	vmul.f32 v28, v28;
	v20 =	vsub.f32 v20, v29  }
0x209: {  	v28 =	vmul.f32 v30, v30;
	v29 =	vmul.f32 v33, v33;
	v24 =	vsub.f32 v24, v32  }
0x20a: {  	v30 =	vmul.f32 v34, v34;
	v32 =	vmul.f32 v37, v37;
	v18 =	vsub.f32 v35, v18  }
0x20b: {  	v34 =	vmul.f32 v41, v41;
	v33 =	vmul.f32 v39, v39;
	v23 =	vsub.f32 v38, v23  }
0x20c: {  	v15 =	vmul.f32 v15, v15;
	v35 =	vmul.f32 v42, v42;
	v25 =	vsub.f32 v40, v25  }
0x20d: {  	v9 =	vadd.f32 v17, v9;
	v17 =	vmul.f32 v20, v20;
	v20 =	vmul.f32 v24, v24  }
0x20e: {  	v21 =	vadd.f32 v22, v21;
	v10 =	vadd.f32 v29, v10;
	v18 =	vmul.f32 v18, v18  }
0x20f: {  	v14 =	vadd.f32 v33, v14;
	v22 =	vmul.f32 v23, v23;
	v23 =	vadd.f32 v32, v30  }
0x210: {  	v15 =	vadd.f32 v15, v16;
	v16 =	vadd.f32 v35, v34;
	v24 =	vmul.f32 v25, v25  }
0x211: {  	v17 =	vadd.f32 v20, v17;
	v18 =	vadd.f32 v18, v19;
	v19 =	vmul.f32 v31, v31  }
0x212: {  	v9 =	vadd.f32 v11, v9;
	v20 =	vmul.f32 v36, v36;
	v11 =	vadd.f32 v24, v22  }
0x213: {  	v13 =	vadd.f32 v13, v21;
	v8 =	vmul.f32 v8, v8;
	v10 =	vadd.f32 v26, v10  }
0x214: {  	v21 =	vmul.f32 v43, v43;
	v14 =	vadd.f32 v28, v14;
	v22 =	vadd.f32 v27, v23  }
0x215: {  	v12 =	vmul.f32 v12, v12;
	v15 =	vadd.f32 v20, v15;
	v16 =	vadd.f32 v19, v16  }
0x216: {  	v8 =	vadd.f32 v8, v17;
	v19 =	vor.u32 $0x6, v3;
	v3 =	vadd.f32 v21, v18  }
0x217: {  	v9 =	vmax.f32 v9, $9.999999930e-09;
	v13 =	vmax.f32 v13, $9.999999930e-09;
	v11 =	vadd.f32 v12, v11  }
0x218: {  	vm1 =	vlt.f32 v9, $1.600000000e+01;
	v10 =	vmax.f32 v10, $9.999999930e-09;
	v12 =	vadd.f32 v13, v9  }
0x219: {  	v14 =	vmax.f32 v14, $9.999999930e-09;
	v16 =	vmax.f32 v16, $9.999999930e-09;
	v17 =	vmax.f32 v22, $9.999999930e-09  }
0x21a: {  	v15 =	vmax.f32 v15, $9.999999930e-09;
	v8 =	vmax.f32 v8, $9.999999930e-09;
	v18 =	vmax.f32 v3, $9.999999930e-09  }
0x21b: {  	v13 =	vmul.f32 v13, v9;
	v3 =	vadd.f32 v17, v10;
	v11 =	vmax.f32 v11, $9.999999930e-09  }
0x21c: {  	vm0 =	vlt.f32 v14, $1.600000000e+01;
	vm2 =	vlt.f32 v10, $1.600000000e+01;
	v9 =	vadd.f32 v16, v14  }
0x21d: {  	v20 =	vadd.f32 v8, v15;
	v14 =	vmul.f32 v16, v14;
	v10 =	vmul.f32 v17, v10  }
0x21e: {  	v21 =	vmul.f32 v8, v15;
	v16 =	vshra.s32 v13, $0x1;
	v17 =	vmul.f32 v11, v18  }
0x21f: {  	v8 =	vmul.f32 $5.000000000e-01, v13;
	v22 =	vshra.s32 v10, $0x1;
	v23 =	vmul.f32 $5.000000000e-01, v10  }
0x220: {  	v16 =	vsub.s32 $0x5F3759DF, v16;
	v24 =	vshra.s32 v14, $0x1;
	v25 =	vmul.f32 $5.000000000e-01, v14  }
0x221: {  	v26 =	vmul.f32 v16, v8;
	v27 =	vshra.s32 v17, $0x1;
	v28 =	vmul.f32 $5.000000000e-01, v17  }
0x222: {  	v29 =	vshra.s32 v21, $0x1;
	v30 =	vmul.f32 $5.000000000e-01, v21;
	v27 =	vsub.s32 $0x5F3759DF, v27  }
0x223: {  	v29 =	vsub.s32 $0x5F3759DF, v29;
	v26 =	vmul.f32 v16, v26;
	v31 =	vmul.f32 v27, v28  }
0x224: {  	s10 =	sadd.s32 $0x50, s10;
	v32 =	vmul.f32 v29, v30;
	v24 =	vsub.s32 $0x5F3759DF, v24;
	v22 =	vsub.s32 $0x5F3759DF, v22  }
0x225: {  	v34 =	vmul.f32 v22, v23;
	v26 =	vsub.f32 $1.500000000e+00, v26;
	v31 =	vmul.f32 v27, v31;
	v33 =	vld [tilespmem:s10+$0xFFFFFFE0]  }
0x226: {  	vm3 =	vlt.f32 v15, $1.600000000e+01;
	v32 =	vmul.f32 v29, v32;
	v15 =	vmul.f32 v24, v25  }
0x227: {  	v11 =	vadd.f32 v11, v18;
	v16 =	vmul.f32 v16, v26;
	v26 =	vsub.f32 $1.500000000e+00, v31;
	v31 =	vld [tilespmem:s10+$0x20]  }
0x228: {  	v32 =	vsub.f32 $1.500000000e+00, v32;
	v15 =	vmul.f32 v24, v15;
	v34 =	vmul.f32 v22, v34  }
0x229: {  	vm4 =	vlt.f32 v18, $1.600000000e+01;
	v8 =	vmul.f32 v16, v8;
	v26 =	vmul.f32 v27, v26;
	v18 =	vld [tilespmem:s10+$0x10]  }
0x22a: {  	v29 =	vmul.f32 v29, v32;
	v15 =	vsub.f32 $1.500000000e+00, v15;
	v27 =	vnsel vm1, $0x0, v33;
	v33 =	vld [tilespmem:s10+$0x0]  }
0x22b: {  	v34 =	vsub.f32 $1.500000000e+00, v34;
	v32 =	vmul.f32 v8, v16;
	v28 =	vmul.f32 v26, v28  }
0x22c: {  	v30 =	vmul.f32 v29, v30;
	v15 =	vmul.f32 v24, v15;
	v35 =	vld [tilespmem:s10+$0xFFFFFFF0];
	v8 =	vnsel vm2, $0x0, v31  }
0x22d: {  	v22 =	vmul.f32 v22, v34;
	v28 =	vmul.f32 v28, v26;
	v31 =	vsub.f32 $1.500000000e+00, v32;
	v24 =	vld.idx.msk [tilespmem:v6+s31+$0x0], $0xffff  }
0x22e: {  	v30 =	vmul.f32 v30, v29;
	v25 =	vmul.f32 v15, v25;
	v6 =	vnsel vm0, $0x0, v18  }
0x22f: {  	v16 =	vmul.f32 v31, v16;
	v18 =	vsub.f32 $1.500000000e+00, v28;
	v28 =	vld.idx.msk [tilespmem:v7+s31+$0x0], $0xffff;
	v7 =	vnsel vm3, $0x0, v33  }
0x230: {  	v23 =	vmul.f32 v22, v23;
	v30 =	vsub.f32 $1.500000000e+00, v30;
	v25 =	vmul.f32 v25, v15  }
0x231: {  	v13 =	vmul.f32 v16, v13;
	v18 =	vmul.f32 v18, v26;
	v16 =	vld.idx.msk [tilespmem:v19+s31+$0x0], $0xffff;
	v19 =	vnsel vm4, $0x0, v35  }
0x232: {  	v23 =	vmul.f32 v23, v22;
	v25 =	vsub.f32 $1.500000000e+00, v25;
	v26 =	vmul.f32 v30, v29  }
0x233: {  	v13 =	vadd.f32 v13, v13;
	v24 =	vmul.f32 v27, v24;
	v17 =	vmul.f32 v18, v17  }
0x234: {  	v15 =	vmul.f32 v25, v15;
	v18 =	vmul.f32 v26, v21;
	v21 =	vsub.f32 $1.500000000e+00, v23;
	v5 =	vld.idx.msk [tilespmem:v5+s31+$0x0], $0xffff  }
0x235: {  	v12 =	vsub.f32 v12, v13;
	v13 =	vadd.f32 v17, v17;
	v17 =	vmul.f32 v7, v28  }
0x236: {  	v14 =	vmul.f32 v15, v14;
	v18 =	vadd.f32 v18, v18;
	v15 =	vmul.f32 v21, v22;
	v4 =	vld.idx.msk [tilespmem:v4+s31+$0x0], $0xffff  }
.Ltmp3:
0x237: {  	v12 =	vmul.f32 v12, v24;
	v11 =	vsub.f32 v11, v13;
	v13 =	vmul.f32 v19, v16;
	(pc) =	sbr.rel @p1 .LBB2_5-.Ltmp3, $4  }
0x238: {  	v14 =	vadd.f32 v14, v14;
	v16 =	vsub.f32 v20, v18;
	v10 =	vmul.f32 v15, v10  }
0x239: {  	v15 =	vadd.f32 v27, v2;
	v12 =	vadd.f32 v12, v1;
	v11 =	vmul.f32 v11, v13  }
0x23a: {  	v1 =	vsub.f32 v9, v14;
	v2 =	vmul.f32 v6, v5;
	v5 =	vadd.f32 v10, v10  }
0x23b: {  	s12 =	sadd.s32 $0x50, s12;
	v10 =	vadd.f32 v19, v15;
	v9 =	vadd.f32 v11, v12;
	v11 =	vmul.f32 v16, v17  }
0x23c: {  	v3 =	vsub.f32 v3, v5;
	v4 =	vmul.f32 v8, v4  }
.Ltmp4:
0x23d: {  	v1 =	vmul.f32 v1, v2;
	v62 =	vadd.f32 v11, v9;
	v7 =	vadd.f32 v7, v10;
	(pc) =	sbr.rel @p0 .LBB2_8-.Ltmp4, $3  }
0x23e: {  	_ = 	snop  }
0x23f: {  	v2 =	vmul.f32 v3, v4;
	v1 =	vadd.f32 v1, v62;
	v63 =	vadd.f32 v6, v7;
	_ =	sdelay $0x1  }
0x240: {  	v2 =	vadd.f32 v2, v1;
	v1 =	vadd.f32 v8, v63  }
0x241: {  	s10 =	smul.u32 $0xFA0, s9  }
.Ltmp5:
0x242: {  	_ = 	snop;
	(pc) =	sbr.rel .LBB2_2-.Ltmp5, $4  }
0x243: {  	s10 =	sadd.s32 s10, s16  }
0x244: {  	s10 =	sshrl.u32 s10, $0x3  }
0x245: {  	s9 =	sadd.s32 $0x1, s9;
	s10 =	sadd.s32 s6, s10  }
0x246: {  	[tilespmem:s25], [sflag:$0x4] =	stream.linear.gather [hbm4b:s10+s5], $0x7D0, $0x38;
	[tilespmem:$0x1EC50] =	vst v63  }
.LBB2_9:
0x247: {  	_ =	sfence.sel $0x180000  }
0x248: {  	[bflag:$0x0] =	sbarrier.arrive $0xFFFF  }
0x249: {  	_ =	strace $0x90000047  }
0x24a: {  	s0 =	stileid.u32;
	[bflag:$0x2] =	sbarrier.arrive $0xFFFF  }
0x24b: {  	p0 =	sne.s32 s0, $0x0;
	s0 =	rddreg [dreg:$0x4]  }
0x24c: {  	s0 =	sadd.s32 @!p0 $0x100000, s0  }
0x24d: {  	[sflag:s0] =	ssyncadd.tile.s32 @!p0 $0x1;
	_ =	shalt  }
.Lfunc_end2:
_tile_overlayer_lowered:
.L_overlay_start_2:
0x24e: {  	(tag) =	ssettag $0x2  }
0x24f: {  	s0 =	rddreg [dreg:$0x0];
	s2 =	stileid.u32  }
0x250: {  	s1 =	rddreg [dreg:$0x1];
	p0 =	sne.s32 s2, $0x0  }
0x251: {  	s3 =	rddreg [dreg:$0x2];
	[bflag:$0x3] =	sbarrier.arrive $0xFFFF;
	s2 =	simm.s32 @!p0 $0x1C09  }
0x252: {  	[timem:s3], [sflag:s2] =	dma.local @!p0 [hbm:s0], s1  }
0x253: {  	s0 =	simm.s32 @!p0 $0x9  }
0x254: {  	_ =	swait.ge @!p0 [sflag:s0], s1  }
0x255: {  	s1 =	ssub.s32 @!p0 $0x0, s1;
	[sflag:s0] =	ssyncset.done @!p0 $0x0  }
0x256: {  	[sflag:s0] =	ssyncadd.s32 @!p0 s1  }
0x257: {  	[bflag:$0x3] =	sbarrier.arrive $0xFFFF  }
0x258: {  	_ =	shalt  }

</sc_bundles>
